<compile_context>
chip_gen: v7x
topology: tpu7x:2x2x1
jax: 0.10.2.dev20260603
libtpu: 0.0.44.dev20260713+nightly
codegen_flags: <defaults>
</compile_context>

<pallas_src>
import functools

import jax
import jax.numpy as jnp
from jax import lax
from jax.experimental import pallas as pl
from jax.experimental.pallas import tpu as pltpu
from jax.experimental.pallas import tpu_sc as plsc

N = 10000
E = 320000
D_H = 128
N_CLS = 40
D3 = 64

NC = 2
NS = 16
NW = NC * NS
EPW = E // NW
K = 125
NCH = EPW // K
N_P = 10240
RPS = N_P // NS

_MESH = plsc.VectorSubcoreMesh(core_axis_name="c", subcore_axis_name="s",
                               num_cores=NC, num_subcores=NS)


def _hist_body(srcr_hbm, dstr_hbm, zeros_hbm, ones_hbm,
               hs_out, hd_out, idx_s, idx_d, ones_v, acc,
               sem0, sem1, sem2, sem3):
    c = lax.axis_index("c")
    s = lax.axis_index("s")
    wid = c * NS + s
    pltpu.sync_copy(srcr_hbm.at[wid], idx_s)
    pltpu.sync_copy(dstr_hbm.at[wid], idx_d)
    pltpu.sync_copy(ones_hbm, ones_v)
    ones_k = ones_v.at[pl.ds(0, K)]
    sl = pl.ds(s * RPS, RPS)
    sems = (sem0, sem1, sem2, sem3)

    for idx, out in ((idx_s, hs_out), (idx_d, hd_out)):
        pltpu.sync_copy(zeros_hbm.at[sl], acc.at[sl])
        plsc.subcore_barrier()

        for k in range(4):
            pltpu.async_copy(ones_k, acc.at[idx.at[k]], sems[k], add=True)

        @pl.loop(0, NCH - 4, step=4)
        def _(j, idx=idx):
            for k in range(4):
                pltpu.make_async_copy(ones_k, acc.at[idx.at[j + k]],
                                      sems[k]).wait()
                pltpu.async_copy(ones_k, acc.at[idx.at[j + 4 + k]],
                                 sems[k], add=True)

        for k in range(4):
            pltpu.make_async_copy(ones_k, acc.at[idx.at[NCH - 4 + k]],
                                  sems[k]).wait()

        plsc.subcore_barrier()
        pltpu.sync_copy(acc.at[sl], out.at[c].at[sl])
        plsc.subcore_barrier()


@jax.jit
def _sc_hist(src_r, dst_r, zeros128, ones128):
    f32 = jnp.float32
    return pl.kernel(
        _hist_body,
        out_type=(jax.ShapeDtypeStruct((NC, N_P, D_H), f32),
                  jax.ShapeDtypeStruct((NC, N_P, D_H), f32)),
        mesh=_MESH,
        scratch_types=[
            pltpu.VMEM((NCH, K), jnp.int32),
            pltpu.VMEM((NCH, K), jnp.int32),
            pltpu.VMEM((128, D_H), f32),
            pltpu.VMEM_SHARED((N_P, D_H), f32),
            pltpu.SemaphoreType.DMA,
            pltpu.SemaphoreType.DMA,
            pltpu.SemaphoreType.DMA,
            pltpu.SemaphoreType.DMA,
        ],
    )(src_r, dst_r, zeros128, ones128)


HCH = NCH // 2


def _agg_body(y_hbm, srcr_hbm, dstr_hbm, zeros_hbm,
              out_hbm, idx_s, idx_d, rows, acc, sem0, sem1):
    c = lax.axis_index("c")
    s = lax.axis_index("s")
    wid = c * NS + s
    sl = pl.ds(s * RPS, RPS)
    pltpu.sync_copy(zeros_hbm.at[sl], acc.at[sl])
    plsc.subcore_barrier()

    r0 = rows.at[0]
    r1 = rows.at[1]
    for h in range(2):
        hsl = pl.ds(h * HCH, HCH)
        pltpu.sync_copy(srcr_hbm.at[wid].at[hsl], idx_s)
        pltpu.sync_copy(dstr_hbm.at[wid].at[hsl], idx_d)
        pltpu.async_copy(y_hbm.at[idx_s.at[0]], r0, sem0)
        pltpu.async_copy(y_hbm.at[idx_s.at[1]], r1, sem1)

        @pl.loop(0, HCH - 2, step=2)
        def _(j):
            pltpu.make_async_copy(y_hbm.at[idx_s.at[j]], r0, sem0).wait()
            pltpu.async_copy(r0, acc.at[idx_d.at[j]], sem0, add=True)
            pltpu.make_async_copy(y_hbm.at[idx_s.at[j + 1]], r1, sem1).wait()
            pltpu.async_copy(r1, acc.at[idx_d.at[j + 1]], sem1, add=True)
            pltpu.make_async_copy(r0, acc.at[idx_d.at[j]], sem0).wait()
            pltpu.async_copy(y_hbm.at[idx_s.at[j + 2]], r0, sem0)
            pltpu.make_async_copy(r1, acc.at[idx_d.at[j + 1]], sem1).wait()
            pltpu.async_copy(y_hbm.at[idx_s.at[j + 3]], r1, sem1)

        j0 = HCH - 2
        j1 = HCH - 1
        pltpu.make_async_copy(y_hbm.at[idx_s.at[j0]], r0, sem0).wait()
        pltpu.async_copy(r0, acc.at[idx_d.at[j0]], sem0, add=True)
        pltpu.make_async_copy(y_hbm.at[idx_s.at[j1]], r1, sem1).wait()
        pltpu.async_copy(r1, acc.at[idx_d.at[j1]], sem1, add=True)
        pltpu.make_async_copy(r0, acc.at[idx_d.at[j0]], sem0).wait()
        pltpu.make_async_copy(r1, acc.at[idx_d.at[j1]], sem1).wait()

    plsc.subcore_barrier()
    pltpu.sync_copy(acc.at[sl], out_hbm.at[c].at[sl])


@functools.partial(jax.jit, static_argnames=("d",))
def _sc_agg(y, src_r, dst_r, zeros, *, d):
    f32 = jnp.float32
    return pl.kernel(
        _agg_body,
        out_type=jax.ShapeDtypeStruct((NC, N_P, d), f32),
        mesh=_MESH,
        scratch_types=[
            pltpu.VMEM((HCH, K), jnp.int32),
            pltpu.VMEM((HCH, K), jnp.int32),
            pltpu.VMEM((2, K, d), f32),
            pltpu.VMEM_SHARED((N_P, d), f32),
            pltpu.SemaphoreType.DMA,
            pltpu.SemaphoreType.DMA,
        ],
    )(y, src_r, dst_r, zeros)


_BLK = 1000
_HIGHEST = jax.lax.Precision.HIGHEST


def _tc_first_body(f_ref, hs0_ref, hs1_ref, w_ref, o_ref):
    deg = hs0_ref[:, :1] + hs1_ref[:, :1]
    ns = lax.rsqrt(jnp.maximum(deg, 1.0))
    o_ref[...] = jnp.dot(f_ref[...] * ns, w_ref[...],
                         preferred_element_type=jnp.float32,
                         precision=_HIGHEST)


def _tc_mid_body(a0_ref, a1_ref, hd0_ref, hd1_ref, hs0_ref, hs1_ref,
                 b_ref, w_ref, o_ref):
    degd = hd0_ref[:, :1] + hd1_ref[:, :1]
    nd = lax.rsqrt(jnp.maximum(degd, 1.0))
    degs = hs0_ref[:, :1] + hs1_ref[:, :1]
    ns = lax.rsqrt(jnp.maximum(degs, 1.0))
    h = jnp.maximum((a0_ref[...] + a1_ref[...]) * nd + b_ref[...], 0.0)
    o_ref[...] = jnp.dot(h * ns, w_ref[...],
                         preferred_element_type=jnp.float32,
                         precision=_HIGHEST)


def _tc_prefinal_body(a0_ref, a1_ref, hd0_ref, hd1_ref, hs0_ref, hs1_ref,
                      b_ref, o_ref):
    degd = hd0_ref[:, :1] + hd1_ref[:, :1]
    nd = lax.rsqrt(jnp.maximum(degd, 1.0))
    degs = hs0_ref[:, :1] + hs1_ref[:, :1]
    ns = lax.rsqrt(jnp.maximum(degs, 1.0))
    h = jnp.maximum((a0_ref[...] + a1_ref[...]) * nd + b_ref[...], 0.0)
    o_ref[...] = h * ns


def _tc_final_body(a0_ref, a1_ref, hd0_ref, hd1_ref, b_ref, w_ref, o_ref):
    degd = hd0_ref[:, :1] + hd1_ref[:, :1]
    nd = lax.rsqrt(jnp.maximum(degd, 1.0))
    agg = (a0_ref[...] + a1_ref[...]) * nd
    o_ref[...] = jnp.dot(agg, w_ref[...],
                         preferred_element_type=jnp.float32,
                         precision=_HIGHEST) + b_ref[...]


def _rows(d):
    return pl.BlockSpec((_BLK, d), lambda i: (i, 0))


def _whole(shape):
    return pl.BlockSpec(shape, lambda i: (0,) * len(shape))


def _tc_first(features, hs0, hs1, W):
    dout = W.shape[1]
    return pl.pallas_call(
        _tc_first_body,
        grid=(N // _BLK,),
        in_specs=[_rows(D_H), _rows(D_H), _rows(D_H), _whole((D_H, dout))],
        out_specs=_rows(dout),
        out_shape=jax.ShapeDtypeStruct((N, dout), jnp.float32),
    )(features, hs0, hs1, W)


def _tc_mid(a0, a1, hd0, hd1, hs0, hs1, b, W):
    din, dout = W.shape
    return pl.pallas_call(
        _tc_mid_body,
        grid=(N // _BLK,),
        in_specs=[_rows(din), _rows(din), _rows(D_H), _rows(D_H),
                  _rows(D_H), _rows(D_H), _whole((1, din)), _whole((din, dout))],
        out_specs=_rows(dout),
        out_shape=jax.ShapeDtypeStruct((N, dout), jnp.float32),
    )(a0, a1, hd0, hd1, hs0, hs1, b, W)


def _tc_prefinal(a0, a1, hd0, hd1, hs0, hs1, b):
    d = a0.shape[1]
    return pl.pallas_call(
        _tc_prefinal_body,
        grid=(N // _BLK,),
        in_specs=[_rows(d), _rows(d), _rows(D_H), _rows(D_H),
                  _rows(D_H), _rows(D_H), _whole((1, d))],
        out_specs=_rows(d),
        out_shape=jax.ShapeDtypeStruct((N, d), jnp.float32),
    )(a0, a1, hd0, hd1, hs0, hs1, b)


def _tc_final(a0, a1, hd0, hd1, b, W):
    din, dout = W.shape
    return pl.pallas_call(
        _tc_final_body,
        grid=(N // _BLK,),
        in_specs=[_rows(din), _rows(din), _rows(D_H), _rows(D_H),
                  _whole((1, dout)), _whole((din, dout))],
        out_specs=_rows(dout),
        out_shape=jax.ShapeDtypeStruct((N, dout), jnp.float32),
    )(a0, a1, hd0, hd1, b, W)


def kernel(features, edge_index, W1, b1, W2, b2, W3, b3):
    f32 = jnp.float32
    src_r = edge_index[0].reshape(NW, NCH, K)
    dst_r = edge_index[1].reshape(NW, NCH, K)
    zeros128 = jnp.zeros((N_P, D_H), f32)
    ones128 = jnp.ones((128, D_H), f32)

    hs, hd = _sc_hist(src_r, dst_r, zeros128, ones128)
    hs0, hs1 = hs[0], hs[1]
    hd0, hd1 = hd[0], hd[1]

    y1 = _tc_first(features, hs0, hs1, W1)
    a1 = _sc_agg(y1, src_r, dst_r, zeros128, d=D_H)
    y2 = _tc_mid(a1[0], a1[1], hd0, hd1, hs0, hs1, b1.reshape(1, D_H), W2)
    a2 = _sc_agg(y2, src_r, dst_r, zeros128, d=D_H)
    h2 = _tc_prefinal(a2[0], a2[1], hd0, hd1, hs0, hs1, b2.reshape(1, D_H))
    a3 = _sc_agg(h2, src_r, dst_r, zeros128, d=D_H)
    return _tc_final(a3[0], a3[1], hd0, hd1, b3.reshape(1, N_CLS), W3)

# --- scband reference (transcript-rebuilt; emitter-appended) ---
"""Pipeline reference for scband-gcn-22127671509489 (READ-ONLY COPY).

The authoritative reference and input builder live on the scoring server;
editing this copy changes nothing except your own understanding.
"""

import jax, jax.numpy as jnp
import numpy as np

N = 10000
E = 320000
D_IN = 128
D_H = 128
N_CLS = 40


def setup_inputs(seed: int = 0):
    key = jax.random.key(seed)
    ks = jax.random.split(key, 10)
    features = jax.random.normal(ks[0], (N, D_IN), dtype=jnp.float32)
    edge_index = jax.random.randint(ks[1], (2, E), 0, N, dtype=jnp.int32)
    W1 = jax.random.normal(ks[2], (D_IN, D_H), dtype=jnp.float32) / np.sqrt(D_IN)
    b1 = jnp.zeros((D_H,), dtype=jnp.float32)
    W2 = jax.random.normal(ks[3], (D_H, D_H), dtype=jnp.float32) / np.sqrt(D_H)
    b2 = jnp.zeros((D_H,), dtype=jnp.float32)
    W3 = jax.random.normal(ks[4], (D_H, N_CLS), dtype=jnp.float32) / np.sqrt(D_H)
    b3 = jnp.zeros((N_CLS,), dtype=jnp.float32)
    return {"features": features, "edge_index": edge_index, "W1": W1, "b1": b1, "W2": W2, "b2": b2, "W3": W3, "b3": b3}


def _gcn_layer(x, edge_index, W, b, activate):
    # DGL GraphConv with norm='both' (symmetric normalization):
    # h = D_in^{-1/2} A D_out^{-1/2} x W + b
    src = edge_index[0]
    dst = edge_index[1]
    n = x.shape[0]
    ones = jnp.ones((src.shape[0],), dtype=jnp.float32)
    deg_out = jax.ops.segment_sum(ones, src, num_segments=n)
    deg_in = jax.ops.segment_sum(ones, dst, num_segments=n)
    norm_src = jax.lax.rsqrt(jnp.clip(deg_out, 1.0, None))
    norm_dst = jax.lax.rsqrt(jnp.clip(deg_in, 1.0, None))
    h = x * norm_src[:, None]
    agg = jax.ops.segment_sum(h[src], dst, num_segments=n)
    agg = agg * norm_dst[:, None]
    out = agg @ W + b
    if activate:
        out = jax.nn.relu(out)
    return out


def reference(features, edge_index, W1, b1, W2, b2, W3, b3):
    # layer 0: in_feats -> n_hidden (relu)
    h = _gcn_layer(features, edge_index, W1, b1, True)
    # dropout is identity in eval mode
    # layer 1: n_hidden -> n_hidden (relu)
    h = _gcn_layer(h, edge_index, W2, b2, True)
    # output layer: n_hidden -> n_classes (no activation)
    h = _gcn_layer(h, edge_index, W3, b3, False)
    return h

if __name__ == "__main__":
    import jax
    _d = setup_inputs()
    print(jax.jit(kernel)(*tuple(_d.values())))

</pallas_src>

<mosaic_0001>
#map = affine_map<(d0, d1) -> (0, 0, 0)>
#map1 = affine_map<(d0, d1) -> (0, 0)>
module attributes {stable_mosaic.version = 14 : i64} {
  func.func @_hist_body(%arg0: i32, %arg1: i32, %arg2: memref<32x80x125xi32, #tpu.memory_space<hbm>>, %arg3: memref<32x80x125xi32, #tpu.memory_space<hbm>>, %arg4: memref<10240x128xf32, #tpu.memory_space<hbm>>, %arg5: memref<128x128xf32, #tpu.memory_space<hbm>>, %arg6: memref<2x10240x128xf32, #tpu.memory_space<hbm>>, %arg7: memref<2x10240x128xf32, #tpu.memory_space<hbm>>, %arg8: memref<80x125xi32, #tpu.memory_space<vmem>>, %arg9: memref<80x125xi32, #tpu.memory_space<vmem>>, %arg10: memref<128x128xf32, #tpu.memory_space<vmem>>, %arg11: memref<10240x128xf32, #tpu.memory_space<vmem_shared>>, %arg12: memref<!tpu.dma_semaphore, #tpu.memory_space<semaphore_mem>>, %arg13: memref<!tpu.dma_semaphore, #tpu.memory_space<semaphore_mem>>, %arg14: memref<!tpu.dma_semaphore, #tpu.memory_space<semaphore_mem>>, %arg15: memref<!tpu.dma_semaphore, #tpu.memory_space<semaphore_mem>>) attributes {dimension_semantics = [#tpu.dimension_semantics<core_parallel>, #tpu.dimension_semantics<subcore_parallel>], iteration_bounds = array<i64: 2, 16>, scalar_prefetch = 0 : i64, scratch_operands = 8 : i64, tpu.core_type = #tpu.core_type<sc_vector_subcore>, window_params = [{transform_indices = #map}, {transform_indices = #map}, {transform_indices = #map1}, {transform_indices = #map1}, {transform_indices = #map}, {transform_indices = #map}]} {
    %mul3A = arith.constant 16 : i32
    %mul3A_0 = arith.muli %arg0, %mul3A : i32
    %add3A = arith.addi %mul3A_0, %arg1 : i32
    "tpu.region"() ({
      %run_scoped3A = tpu.sem_alloc : memref<!tpu.dma_semaphore, #tpu.memory_space<semaphore_mem>>
      %dma_start3A_175 = arith.constant 0 : i32
      %dma_start3A_176 = arith.constant 0 : i32
      %dma_start3A_177 = tpu.memref_slice %arg2[%add3A, %dma_start3A_175, %dma_start3A_176] : memref<32x80x125xi32, #tpu.memory_space<hbm>> -> memref<1x80x125xi32, #tpu.memory_space<hbm>>
      %dma_start3A_178 = tpu.memref_squeeze %dma_start3A_177 : memref<1x80x125xi32, #tpu.memory_space<hbm>> -> memref<80x125xi32, #tpu.memory_space<hbm>>
      %dma_start3A_179 = arith.constant 0 : i32
      %dma_start3A_180 = arith.constant 0 : i32
      %dma_start3A_181 = tpu.memref_slice %arg2[%add3A, %dma_start3A_179, %dma_start3A_180] : memref<32x80x125xi32, #tpu.memory_space<hbm>> -> memref<1x80x125xi32, #tpu.memory_space<hbm>>
      %dma_start3A_182 = tpu.memref_squeeze %dma_start3A_181 : memref<1x80x125xi32, #tpu.memory_space<hbm>> -> memref<80x125xi32, #tpu.memory_space<hbm>>
      tpu.enqueue_dma source(%dma_start3A_182 : memref<80x125xi32, #tpu.memory_space<hbm>>) target(%arg8 : memref<80x125xi32, #tpu.memory_space<vmem>>) target_semaphore(%run_scoped3A : memref<!tpu.dma_semaphore, #tpu.memory_space<semaphore_mem>>)
      %dma_wait3A_183 = arith.constant 0 : i32
      %dma_wait3A_184 = arith.constant 0 : i32
      %dma_wait3A_185 = tpu.memref_slice %arg2[%add3A, %dma_wait3A_183, %dma_wait3A_184] : memref<32x80x125xi32, #tpu.memory_space<hbm>> -> memref<1x80x125xi32, #tpu.memory_space<hbm>>
      %dma_wait3A_186 = tpu.memref_squeeze %dma_wait3A_185 : memref<1x80x125xi32, #tpu.memory_space<hbm>> -> memref<80x125xi32, #tpu.memory_space<hbm>>
      %dma_wait3A_187 = arith.constant 0 : i32
      %dma_wait3A_188 = arith.constant 0 : i32
      %dma_wait3A_189 = tpu.memref_slice %arg2[%add3A, %dma_wait3A_187, %dma_wait3A_188] : memref<32x80x125xi32, #tpu.memory_space<hbm>> -> memref<1x80x125xi32, #tpu.memory_space<hbm>>
      %dma_wait3A_190 = tpu.memref_squeeze %dma_wait3A_189 : memref<1x80x125xi32, #tpu.memory_space<hbm>> -> memref<80x125xi32, #tpu.memory_space<hbm>>
      tpu.wait_dma2 semaphore(%run_scoped3A : memref<!tpu.dma_semaphore, #tpu.memory_space<semaphore_mem>>) src(%dma_wait3A_190 : memref<80x125xi32, #tpu.memory_space<hbm>>) dst(%arg8 : memref<80x125xi32, #tpu.memory_space<vmem>>)
      tpu.yield
    }) : () -> ()
    "tpu.region"() ({
      %run_scoped3A = tpu.sem_alloc : memref<!tpu.dma_semaphore, #tpu.memory_space<semaphore_mem>>
      %dma_start3A_175 = arith.constant 0 : i32
      %dma_start3A_176 = arith.constant 0 : i32
      %dma_start3A_177 = tpu.memref_slice %arg3[%add3A, %dma_start3A_175, %dma_start3A_176] : memref<32x80x125xi32, #tpu.memory_space<hbm>> -> memref<1x80x125xi32, #tpu.memory_space<hbm>>
      %dma_start3A_178 = tpu.memref_squeeze %dma_start3A_177 : memref<1x80x125xi32, #tpu.memory_space<hbm>> -> memref<80x125xi32, #tpu.memory_space<hbm>>
      %dma_start3A_179 = arith.constant 0 : i32
      %dma_start3A_180 = arith.constant 0 : i32
      %dma_start3A_181 = tpu.memref_slice %arg3[%add3A, %dma_start3A_179, %dma_start3A_180] : memref<32x80x125xi32, #tpu.memory_space<hbm>> -> memref<1x80x125xi32, #tpu.memory_space<hbm>>
      %dma_start3A_182 = tpu.memref_squeeze %dma_start3A_181 : memref<1x80x125xi32, #tpu.memory_space<hbm>> -> memref<80x125xi32, #tpu.memory_space<hbm>>
      tpu.enqueue_dma source(%dma_start3A_182 : memref<80x125xi32, #tpu.memory_space<hbm>>) target(%arg9 : memref<80x125xi32, #tpu.memory_space<vmem>>) target_semaphore(%run_scoped3A : memref<!tpu.dma_semaphore, #tpu.memory_space<semaphore_mem>>)
      %dma_wait3A_183 = arith.constant 0 : i32
      %dma_wait3A_184 = arith.constant 0 : i32
      %dma_wait3A_185 = tpu.memref_slice %arg3[%add3A, %dma_wait3A_183, %dma_wait3A_184] : memref<32x80x125xi32, #tpu.memory_space<hbm>> -> memref<1x80x125xi32, #tpu.memory_space<hbm>>
      %dma_wait3A_186 = tpu.memref_squeeze %dma_wait3A_185 : memref<1x80x125xi32, #tpu.memory_space<hbm>> -> memref<80x125xi32, #tpu.memory_space<hbm>>
      %dma_wait3A_187 = arith.constant 0 : i32
      %dma_wait3A_188 = arith.constant 0 : i32
      %dma_wait3A_189 = tpu.memref_slice %arg3[%add3A, %dma_wait3A_187, %dma_wait3A_188] : memref<32x80x125xi32, #tpu.memory_space<hbm>> -> memref<1x80x125xi32, #tpu.memory_space<hbm>>
      %dma_wait3A_190 = tpu.memref_squeeze %dma_wait3A_189 : memref<1x80x125xi32, #tpu.memory_space<hbm>> -> memref<80x125xi32, #tpu.memory_space<hbm>>
      tpu.wait_dma2 semaphore(%run_scoped3A : memref<!tpu.dma_semaphore, #tpu.memory_space<semaphore_mem>>) src(%dma_wait3A_190 : memref<80x125xi32, #tpu.memory_space<hbm>>) dst(%arg9 : memref<80x125xi32, #tpu.memory_space<vmem>>)
      tpu.yield
    }) : () -> ()
    "tpu.region"() ({
      %run_scoped3A = tpu.sem_alloc : memref<!tpu.dma_semaphore, #tpu.memory_space<semaphore_mem>>
      tpu.enqueue_dma source(%arg5 : memref<128x128xf32, #tpu.memory_space<hbm>>) target(%arg10 : memref<128x128xf32, #tpu.memory_space<vmem>>) target_semaphore(%run_scoped3A : memref<!tpu.dma_semaphore, #tpu.memory_space<semaphore_mem>>)
      tpu.wait_dma2 semaphore(%run_scoped3A : memref<!tpu.dma_semaphore, #tpu.memory_space<semaphore_mem>>) src(%arg5 : memref<128x128xf32, #tpu.memory_space<hbm>>) dst(%arg10 : memref<128x128xf32, #tpu.memory_space<vmem>>)
      tpu.yield
    }) : () -> ()
    %mul3A_1 = arith.constant 640 : i32
    %mul3A_2 = arith.muli %arg1, %mul3A_1 : i32
    "tpu.region"() ({
      %run_scoped3A = tpu.sem_alloc : memref<!tpu.dma_semaphore, #tpu.memory_space<semaphore_mem>>
      %dma_start3A_175 = arith.constant 0 : i32
      %dma_start3A_176 = tpu.memref_slice %arg11[%mul3A_2, %dma_start3A_175] : memref<10240x128xf32, #tpu.memory_space<vmem_shared>> -> memref<640x128xf32, #tpu.memory_space<vmem_shared>>
      %dma_start3A_177 = arith.constant 0 : i32
      %dma_start3A_178 = tpu.memref_slice %arg4[%mul3A_2, %dma_start3A_177] : memref<10240x128xf32, #tpu.memory_space<hbm>> -> memref<640x128xf32, #tpu.memory_space<hbm>>
      tpu.enqueue_dma source(%dma_start3A_178 : memref<640x128xf32, #tpu.memory_space<hbm>>) target(%dma_start3A_176 : memref<640x128xf32, #tpu.memory_space<vmem_shared>>) target_semaphore(%run_scoped3A : memref<!tpu.dma_semaphore, #tpu.memory_space<semaphore_mem>>)
      %dma_wait3A_179 = arith.constant 0 : i32
      %dma_wait3A_180 = tpu.memref_slice %arg11[%mul3A_2, %dma_wait3A_179] : memref<10240x128xf32, #tpu.memory_space<vmem_shared>> -> memref<640x128xf32, #tpu.memory_space<vmem_shared>>
      %dma_wait3A_181 = arith.constant 0 : i32
      %dma_wait3A_182 = tpu.memref_slice %arg4[%mul3A_2, %dma_wait3A_181] : memref<10240x128xf32, #tpu.memory_space<hbm>> -> memref<640x128xf32, #tpu.memory_space<hbm>>
      tpu.wait_dma2 semaphore(%run_scoped3A : memref<!tpu.dma_semaphore, #tpu.memory_space<semaphore_mem>>) src(%dma_wait3A_182 : memref<640x128xf32, #tpu.memory_space<hbm>>) dst(%dma_wait3A_180 : memref<640x128xf32, #tpu.memory_space<vmem_shared>>)
      tpu.yield
    }) : () -> ()
    %barrier3A = arith.constant 0 : index
    tpu.barrier barrier_id(%barrier3A)
    %dma_start3A = arith.constant 0 : i32
    %dma_start3A_3 = arith.constant 0 : i32
    %dma_start3A_4 = arith.constant 0 : i32
    %dma_start3A_5 = tpu.memref_slice %arg10[%dma_start3A_3, %dma_start3A_4] : memref<128x128xf32, #tpu.memory_space<vmem>> -> memref<125x128xf32, #tpu.memory_space<vmem>>
    %dma_start3A_6 = arith.constant 0 : i32
    %dma_start3A_7 = tpu.memref_slice %arg8[%dma_start3A, %dma_start3A_6] : memref<80x125xi32, #tpu.memory_space<vmem>> -> memref<1x125xi32, #tpu.memory_space<vmem>>
    %dma_start3A_8 = tpu.memref_squeeze %dma_start3A_7 : memref<1x125xi32, #tpu.memory_space<vmem>> -> memref<125xi32, #tpu.memory_space<vmem>>
    %dma_start3A_9 = arith.constant 0 : i32
    %dma_start3A_10 = arith.constant 0 : i32
    %dma_start3A_11 = tpu.memref_slice %arg11[%dma_start3A_9, %dma_start3A_10] : memref<10240x128xf32, #tpu.memory_space<vmem_shared>> -> memref<10240x128xf32, #tpu.memory_space<vmem_shared>>
    tpu.enqueue_indirect_dma source(%dma_start3A_5 : memref<125x128xf32, #tpu.memory_space<vmem>>) target(%dma_start3A_11 : memref<10240x128xf32, #tpu.memory_space<vmem_shared>>) offsets(%dma_start3A_8 : memref<125xi32, #tpu.memory_space<vmem>>) semaphore(%arg12 : memref<!tpu.dma_semaphore, #tpu.memory_space<semaphore_mem>>) {add = true}
    %dma_start3A_12 = arith.constant 1 : i32
    %dma_start3A_13 = arith.constant 0 : i32
    %dma_start3A_14 = arith.constant 0 : i32
    %dma_start3A_15 = tpu.memref_slice %arg10[%dma_start3A_13, %dma_start3A_14] : memref<128x128xf32, #tpu.memory_space<vmem>> -> memref<125x128xf32, #tpu.memory_space<vmem>>
    %dma_start3A_16 = arith.constant 0 : i32
    %dma_start3A_17 = tpu.memref_slice %arg8[%dma_start3A_12, %dma_start3A_16] : memref<80x125xi32, #tpu.memory_space<vmem>> -> memref<1x125xi32, #tpu.memory_space<vmem>>
    %dma_start3A_18 = tpu.memref_squeeze %dma_start3A_17 : memref<1x125xi32, #tpu.memory_space<vmem>> -> memref<125xi32, #tpu.memory_space<vmem>>
    %dma_start3A_19 = arith.constant 0 : i32
    %dma_start3A_20 = arith.constant 0 : i32
    %dma_start3A_21 = tpu.memref_slice %arg11[%dma_start3A_19, %dma_start3A_20] : memref<10240x128xf32, #tpu.memory_space<vmem_shared>> -> memref<10240x128xf32, #tpu.memory_space<vmem_shared>>
    tpu.enqueue_indirect_dma source(%dma_start3A_15 : memref<125x128xf32, #tpu.memory_space<vmem>>) target(%dma_start3A_21 : memref<10240x128xf32, #tpu.memory_space<vmem_shared>>) offsets(%dma_start3A_18 : memref<125xi32, #tpu.memory_space<vmem>>) semaphore(%arg13 : memref<!tpu.dma_semaphore, #tpu.memory_space<semaphore_mem>>) {add = true}
    %dma_start3A_22 = arith.constant 2 : i32
    %dma_start3A_23 = arith.constant 0 : i32
    %dma_start3A_24 = arith.constant 0 : i32
    %dma_start3A_25 = tpu.memref_slice %arg10[%dma_start3A_23, %dma_start3A_24] : memref<128x128xf32, #tpu.memory_space<vmem>> -> memref<125x128xf32, #tpu.memory_space<vmem>>
    %dma_start3A_26 = arith.constant 0 : i32
    %dma_start3A_27 = tpu.memref_slice %arg8[%dma_start3A_22, %dma_start3A_26] : memref<80x125xi32, #tpu.memory_space<vmem>> -> memref<1x125xi32, #tpu.memory_space<vmem>>
    %dma_start3A_28 = tpu.memref_squeeze %dma_start3A_27 : memref<1x125xi32, #tpu.memory_space<vmem>> -> memref<125xi32, #tpu.memory_space<vmem>>
    %dma_start3A_29 = arith.constant 0 : i32
    %dma_start3A_30 = arith.constant 0 : i32
    %dma_start3A_31 = tpu.memref_slice %arg11[%dma_start3A_29, %dma_start3A_30] : memref<10240x128xf32, #tpu.memory_space<vmem_shared>> -> memref<10240x128xf32, #tpu.memory_space<vmem_shared>>
    tpu.enqueue_indirect_dma source(%dma_start3A_25 : memref<125x128xf32, #tpu.memory_space<vmem>>) target(%dma_start3A_31 : memref<10240x128xf32, #tpu.memory_space<vmem_shared>>) offsets(%dma_start3A_28 : memref<125xi32, #tpu.memory_space<vmem>>) semaphore(%arg14 : memref<!tpu.dma_semaphore, #tpu.memory_space<semaphore_mem>>) {add = true}
    %dma_start3A_32 = arith.constant 3 : i32
    %dma_start3A_33 = arith.constant 0 : i32
    %dma_start3A_34 = arith.constant 0 : i32
    %dma_start3A_35 = tpu.memref_slice %arg10[%dma_start3A_33, %dma_start3A_34] : memref<128x128xf32, #tpu.memory_space<vmem>> -> memref<125x128xf32, #tpu.memory_space<vmem>>
    %dma_start3A_36 = arith.constant 0 : i32
    %dma_start3A_37 = tpu.memref_slice %arg8[%dma_start3A_32, %dma_start3A_36] : memref<80x125xi32, #tpu.memory_space<vmem>> -> memref<1x125xi32, #tpu.memory_space<vmem>>
    %dma_start3A_38 = tpu.memref_squeeze %dma_start3A_37 : memref<1x125xi32, #tpu.memory_space<vmem>> -> memref<125xi32, #tpu.memory_space<vmem>>
    %dma_start3A_39 = arith.constant 0 : i32
    %dma_start3A_40 = arith.constant 0 : i32
    %dma_start3A_41 = tpu.memref_slice %arg11[%dma_start3A_39, %dma_start3A_40] : memref<10240x128xf32, #tpu.memory_space<vmem_shared>> -> memref<10240x128xf32, #tpu.memory_space<vmem_shared>>
    tpu.enqueue_indirect_dma source(%dma_start3A_35 : memref<125x128xf32, #tpu.memory_space<vmem>>) target(%dma_start3A_41 : memref<10240x128xf32, #tpu.memory_space<vmem_shared>>) offsets(%dma_start3A_38 : memref<125xi32, #tpu.memory_space<vmem>>) semaphore(%arg15 : memref<!tpu.dma_semaphore, #tpu.memory_space<semaphore_mem>>) {add = true}
    %scan3A = arith.constant 0 : i32
    %scan3A_42 = arith.constant 19 : i32
    %scan3A_43 = arith.addi %scan3A, %scan3A_42 : i32
    %scan3A_44 = arith.constant 1 : i32
    scf.for %scan3A_175 = %scan3A to %scan3A_43 step %scan3A_44  : i32 {
      %mul3A_176 = arith.constant 4 : i32
      %mul3A_177 = arith.muli %scan3A_175, %mul3A_176 : i32
      %add3A_178 = arith.constant 0 : i32
      %add3A_179 = arith.addi %add3A_178, %mul3A_177 : i32
      %add3A_180 = arith.constant 0 : i32
      %add3A_181 = arith.addi %add3A_179, %add3A_180 : i32
      %dma_wait3A_182 = arith.constant 0 : i32
      %dma_wait3A_183 = arith.constant 0 : i32
      %dma_wait3A_184 = tpu.memref_slice %arg10[%dma_wait3A_182, %dma_wait3A_183] : memref<128x128xf32, #tpu.memory_space<vmem>> -> memref<125x128xf32, #tpu.memory_space<vmem>>
      %dma_wait3A_185 = arith.constant 0 : i32
      %dma_wait3A_186 = tpu.memref_slice %arg8[%add3A_181, %dma_wait3A_185] : memref<80x125xi32, #tpu.memory_space<vmem>> -> memref<1x125xi32, #tpu.memory_space<vmem>>
      %dma_wait3A_187 = tpu.memref_squeeze %dma_wait3A_186 : memref<1x125xi32, #tpu.memory_space<vmem>> -> memref<125xi32, #tpu.memory_space<vmem>>
      %dma_wait3A_188 = arith.constant 0 : i32
      %dma_wait3A_189 = arith.constant 0 : i32
      %dma_wait3A_190 = tpu.memref_slice %arg11[%dma_wait3A_188, %dma_wait3A_189] : memref<10240x128xf32, #tpu.memory_space<vmem_shared>> -> memref<10240x128xf32, #tpu.memory_space<vmem_shared>>
      tpu.wait_indirect_dma semaphore(%arg12 : memref<!tpu.dma_semaphore, #tpu.memory_space<semaphore_mem>>) src(%dma_wait3A_184 : memref<125x128xf32, #tpu.memory_space<vmem>>) dst(%dma_wait3A_190 : memref<10240x128xf32, #tpu.memory_space<vmem_shared>>)
      %add3A_191 = arith.constant 4 : i32
      %add3A_192 = arith.addi %add3A_179, %add3A_191 : i32
      %add3A_193 = arith.constant 0 : i32
      %add3A_194 = arith.addi %add3A_192, %add3A_193 : i32
      %dma_start3A_195 = arith.constant 0 : i32
      %dma_start3A_196 = arith.constant 0 : i32
      %dma_start3A_197 = tpu.memref_slice %arg10[%dma_start3A_195, %dma_start3A_196] : memref<128x128xf32, #tpu.memory_space<vmem>> -> memref<125x128xf32, #tpu.memory_space<vmem>>
      %dma_start3A_198 = arith.constant 0 : i32
      %dma_start3A_199 = tpu.memref_slice %arg8[%add3A_194, %dma_start3A_198] : memref<80x125xi32, #tpu.memory_space<vmem>> -> memref<1x125xi32, #tpu.memory_space<vmem>>
      %dma_start3A_200 = tpu.memref_squeeze %dma_start3A_199 : memref<1x125xi32, #tpu.memory_space<vmem>> -> memref<125xi32, #tpu.memory_space<vmem>>
      %dma_start3A_201 = arith.constant 0 : i32
      %dma_start3A_202 = arith.constant 0 : i32
      %dma_start3A_203 = tpu.memref_slice %arg11[%dma_start3A_201, %dma_start3A_202] : memref<10240x128xf32, #tpu.memory_space<vmem_shared>> -> memref<10240x128xf32, #tpu.memory_space<vmem_shared>>
      tpu.enqueue_indirect_dma source(%dma_start3A_197 : memref<125x128xf32, #tpu.memory_space<vmem>>) target(%dma_start3A_203 : memref<10240x128xf32, #tpu.memory_space<vmem_shared>>) offsets(%dma_start3A_200 : memref<125xi32, #tpu.memory_space<vmem>>) semaphore(%arg12 : memref<!tpu.dma_semaphore, #tpu.memory_space<semaphore_mem>>) {add = true}
      %add3A_204 = arith.constant 1 : i32
      %add3A_205 = arith.addi %add3A_179, %add3A_204 : i32
      %dma_wait3A_206 = arith.constant 0 : i32
      %dma_wait3A_207 = arith.constant 0 : i32
      %dma_wait3A_208 = tpu.memref_slice %arg10[%dma_wait3A_206, %dma_wait3A_207] : memref<128x128xf32, #tpu.memory_space<vmem>> -> memref<125x128xf32, #tpu.memory_space<vmem>>
      %dma_wait3A_209 = arith.constant 0 : i32
      %dma_wait3A_210 = tpu.memref_slice %arg8[%add3A_205, %dma_wait3A_209] : memref<80x125xi32, #tpu.memory_space<vmem>> -> memref<1x125xi32, #tpu.memory_space<vmem>>
      %dma_wait3A_211 = tpu.memref_squeeze %dma_wait3A_210 : memref<1x125xi32, #tpu.memory_space<vmem>> -> memref<125xi32, #tpu.memory_space<vmem>>
      %dma_wait3A_212 = arith.constant 0 : i32
      %dma_wait3A_213 = arith.constant 0 : i32
      %dma_wait3A_214 = tpu.memref_slice %arg11[%dma_wait3A_212, %dma_wait3A_213] : memref<10240x128xf32, #tpu.memory_space<vmem_shared>> -> memref<10240x128xf32, #tpu.memory_space<vmem_shared>>
      tpu.wait_indirect_dma semaphore(%arg13 : memref<!tpu.dma_semaphore, #tpu.memory_space<semaphore_mem>>) src(%dma_wait3A_208 : memref<125x128xf32, #tpu.memory_space<vmem>>) dst(%dma_wait3A_214 : memref<10240x128xf32, #tpu.memory_space<vmem_shared>>)
      %add3A_215 = arith.constant 4 : i32
      %add3A_216 = arith.addi %add3A_179, %add3A_215 : i32
      %add3A_217 = arith.constant 1 : i32
      %add3A_218 = arith.addi %add3A_216, %add3A_217 : i32
      %dma_start3A_219 = arith.constant 0 : i32
      %dma_start3A_220 = arith.constant 0 : i32
      %dma_start3A_221 = tpu.memref_slice %arg10[%dma_start3A_219, %dma_start3A_220] : memref<128x128xf32, #tpu.memory_space<vmem>> -> memref<125x128xf32, #tpu.memory_space<vmem>>
      %dma_start3A_222 = arith.constant 0 : i32
      %dma_start3A_223 = tpu.memref_slice %arg8[%add3A_218, %dma_start3A_222] : memref<80x125xi32, #tpu.memory_space<vmem>> -> memref<1x125xi32, #tpu.memory_space<vmem>>
      %dma_start3A_224 = tpu.memref_squeeze %dma_start3A_223 : memref<1x125xi32, #tpu.memory_space<vmem>> -> memref<125xi32, #tpu.memory_space<vmem>>
      %dma_start3A_225 = arith.constant 0 : i32
      %dma_start3A_226 = arith.constant 0 : i32
      %dma_start3A_227 = tpu.memref_slice %arg11[%dma_start3A_225, %dma_start3A_226] : memref<10240x128xf32, #tpu.memory_space<vmem_shared>> -> memref<10240x128xf32, #tpu.memory_space<vmem_shared>>
      tpu.enqueue_indirect_dma source(%dma_start3A_221 : memref<125x128xf32, #tpu.memory_space<vmem>>) target(%dma_start3A_227 : memref<10240x128xf32, #tpu.memory_space<vmem_shared>>) offsets(%dma_start3A_224 : memref<125xi32, #tpu.memory_space<vmem>>) semaphore(%arg13 : memref<!tpu.dma_semaphore, #tpu.memory_space<semaphore_mem>>) {add = true}
      %add3A_228 = arith.constant 2 : i32
      %add3A_229 = arith.addi %add3A_179, %add3A_228 : i32
      %dma_wait3A_230 = arith.constant 0 : i32
      %dma_wait3A_231 = arith.constant 0 : i32
      %dma_wait3A_232 = tpu.memref_slice %arg10[%dma_wait3A_230, %dma_wait3A_231] : memref<128x128xf32, #tpu.memory_space<vmem>> -> memref<125x128xf32, #tpu.memory_space<vmem>>
      %dma_wait3A_233 = arith.constant 0 : i32
      %dma_wait3A_234 = tpu.memref_slice %arg8[%add3A_229, %dma_wait3A_233] : memref<80x125xi32, #tpu.memory_space<vmem>> -> memref<1x125xi32, #tpu.memory_space<vmem>>
      %dma_wait3A_235 = tpu.memref_squeeze %dma_wait3A_234 : memref<1x125xi32, #tpu.memory_space<vmem>> -> memref<125xi32, #tpu.memory_space<vmem>>
      %dma_wait3A_236 = arith.constant 0 : i32
      %dma_wait3A_237 = arith.constant 0 : i32
      %dma_wait3A_238 = tpu.memref_slice %arg11[%dma_wait3A_236, %dma_wait3A_237] : memref<10240x128xf32, #tpu.memory_space<vmem_shared>> -> memref<10240x128xf32, #tpu.memory_space<vmem_shared>>
      tpu.wait_indirect_dma semaphore(%arg14 : memref<!tpu.dma_semaphore, #tpu.memory_space<semaphore_mem>>) src(%dma_wait3A_232 : memref<125x128xf32, #tpu.memory_space<vmem>>) dst(%dma_wait3A_238 : memref<10240x128xf32, #tpu.memory_space<vmem_shared>>)
      %add3A_239 = arith.constant 4 : i32
      %add3A_240 = arith.addi %add3A_179, %add3A_239 : i32
      %add3A_241 = arith.constant 2 : i32
      %add3A_242 = arith.addi %add3A_240, %add3A_241 : i32
      %dma_start3A_243 = arith.constant 0 : i32
      %dma_start3A_244 = arith.constant 0 : i32
      %dma_start3A_245 = tpu.memref_slice %arg10[%dma_start3A_243, %dma_start3A_244] : memref<128x128xf32, #tpu.memory_space<vmem>> -> memref<125x128xf32, #tpu.memory_space<vmem>>
      %dma_start3A_246 = arith.constant 0 : i32
      %dma_start3A_247 = tpu.memref_slice %arg8[%add3A_242, %dma_start3A_246] : memref<80x125xi32, #tpu.memory_space<vmem>> -> memref<1x125xi32, #tpu.memory_space<vmem>>
      %dma_start3A_248 = tpu.memref_squeeze %dma_start3A_247 : memref<1x125xi32, #tpu.memory_space<vmem>> -> memref<125xi32, #tpu.memory_space<vmem>>
      %dma_start3A_249 = arith.constant 0 : i32
      %dma_start3A_250 = arith.constant 0 : i32
      %dma_start3A_251 = tpu.memref_slice %arg11[%dma_start3A_249, %dma_start3A_250] : memref<10240x128xf32, #tpu.memory_space<vmem_shared>> -> memref<10240x128xf32, #tpu.memory_space<vmem_shared>>
      tpu.enqueue_indirect_dma source(%dma_start3A_245 : memref<125x128xf32, #tpu.memory_space<vmem>>) target(%dma_start3A_251 : memref<10240x128xf32, #tpu.memory_space<vmem_shared>>) offsets(%dma_start3A_248 : memref<125xi32, #tpu.memory_space<vmem>>) semaphore(%arg14 : memref<!tpu.dma_semaphore, #tpu.memory_space<semaphore_mem>>) {add = true}
      %add3A_252 = arith.constant 3 : i32
      %add3A_253 = arith.addi %add3A_179, %add3A_252 : i32
      %dma_wait3A_254 = arith.constant 0 : i32
      %dma_wait3A_255 = arith.constant 0 : i32
      %dma_wait3A_256 = tpu.memref_slice %arg10[%dma_wait3A_254, %dma_wait3A_255] : memref<128x128xf32, #tpu.memory_space<vmem>> -> memref<125x128xf32, #tpu.memory_space<vmem>>
      %dma_wait3A_257 = arith.constant 0 : i32
      %dma_wait3A_258 = tpu.memref_slice %arg8[%add3A_253, %dma_wait3A_257] : memref<80x125xi32, #tpu.memory_space<vmem>> -> memref<1x125xi32, #tpu.memory_space<vmem>>
      %dma_wait3A_259 = tpu.memref_squeeze %dma_wait3A_258 : memref<1x125xi32, #tpu.memory_space<vmem>> -> memref<125xi32, #tpu.memory_space<vmem>>
      %dma_wait3A_260 = arith.constant 0 : i32
      %dma_wait3A_261 = arith.constant 0 : i32
      %dma_wait3A_262 = tpu.memref_slice %arg11[%dma_wait3A_260, %dma_wait3A_261] : memref<10240x128xf32, #tpu.memory_space<vmem_shared>> -> memref<10240x128xf32, #tpu.memory_space<vmem_shared>>
      tpu.wait_indirect_dma semaphore(%arg15 : memref<!tpu.dma_semaphore, #tpu.memory_space<semaphore_mem>>) src(%dma_wait3A_256 : memref<125x128xf32, #tpu.memory_space<vmem>>) dst(%dma_wait3A_262 : memref<10240x128xf32, #tpu.memory_space<vmem_shared>>)
      %add3A_263 = arith.constant 4 : i32
      %add3A_264 = arith.addi %add3A_179, %add3A_263 : i32
      %add3A_265 = arith.constant 3 : i32
      %add3A_266 = arith.addi %add3A_264, %add3A_265 : i32
      %dma_start3A_267 = arith.constant 0 : i32
      %dma_start3A_268 = arith.constant 0 : i32
      %dma_start3A_269 = tpu.memref_slice %arg10[%dma_start3A_267, %dma_start3A_268] : memref<128x128xf32, #tpu.memory_space<vmem>> -> memref<125x128xf32, #tpu.memory_space<vmem>>
      %dma_start3A_270 = arith.constant 0 : i32
      %dma_start3A_271 = tpu.memref_slice %arg8[%add3A_266, %dma_start3A_270] : memref<80x125xi32, #tpu.memory_space<vmem>> -> memref<1x125xi32, #tpu.memory_space<vmem>>
      %dma_start3A_272 = tpu.memref_squeeze %dma_start3A_271 : memref<1x125xi32, #tpu.memory_space<vmem>> -> memref<125xi32, #tpu.memory_space<vmem>>
      %dma_start3A_273 = arith.constant 0 : i32
      %dma_start3A_274 = arith.constant 0 : i32
      %dma_start3A_275 = tpu.memref_slice %arg11[%dma_start3A_273, %dma_start3A_274] : memref<10240x128xf32, #tpu.memory_space<vmem_shared>> -> memref<10240x128xf32, #tpu.memory_space<vmem_shared>>
      tpu.enqueue_indirect_dma source(%dma_start3A_269 : memref<125x128xf32, #tpu.memory_space<vmem>>) target(%dma_start3A_275 : memref<10240x128xf32, #tpu.memory_space<vmem_shared>>) offsets(%dma_start3A_272 : memref<125xi32, #tpu.memory_space<vmem>>) semaphore(%arg15 : memref<!tpu.dma_semaphore, #tpu.memory_space<semaphore_mem>>) {add = true}
    }
    %scan3A_45 = arith.constant 19 : i32
    %dma_wait3A = arith.constant 76 : i32
    %dma_wait3A_46 = arith.constant 0 : i32
    %dma_wait3A_47 = arith.constant 0 : i32
    %dma_wait3A_48 = tpu.memref_slice %arg10[%dma_wait3A_46, %dma_wait3A_47] : memref<128x128xf32, #tpu.memory_space<vmem>> -> memref<125x128xf32, #tpu.memory_space<vmem>>
    %dma_wait3A_49 = arith.constant 0 : i32
    %dma_wait3A_50 = tpu.memref_slice %arg8[%dma_wait3A, %dma_wait3A_49] : memref<80x125xi32, #tpu.memory_space<vmem>> -> memref<1x125xi32, #tpu.memory_space<vmem>>
    %dma_wait3A_51 = tpu.memref_squeeze %dma_wait3A_50 : memref<1x125xi32, #tpu.memory_space<vmem>> -> memref<125xi32, #tpu.memory_space<vmem>>
    %dma_wait3A_52 = arith.constant 0 : i32
    %dma_wait3A_53 = arith.constant 0 : i32
    %dma_wait3A_54 = tpu.memref_slice %arg11[%dma_wait3A_52, %dma_wait3A_53] : memref<10240x128xf32, #tpu.memory_space<vmem_shared>> -> memref<10240x128xf32, #tpu.memory_space<vmem_shared>>
    tpu.wait_indirect_dma semaphore(%arg12 : memref<!tpu.dma_semaphore, #tpu.memory_space<semaphore_mem>>) src(%dma_wait3A_48 : memref<125x128xf32, #tpu.memory_space<vmem>>) dst(%dma_wait3A_54 : memref<10240x128xf32, #tpu.memory_space<vmem_shared>>)
    %dma_wait3A_55 = arith.constant 77 : i32
    %dma_wait3A_56 = arith.constant 0 : i32
    %dma_wait3A_57 = arith.constant 0 : i32
    %dma_wait3A_58 = tpu.memref_slice %arg10[%dma_wait3A_56, %dma_wait3A_57] : memref<128x128xf32, #tpu.memory_space<vmem>> -> memref<125x128xf32, #tpu.memory_space<vmem>>
    %dma_wait3A_59 = arith.constant 0 : i32
    %dma_wait3A_60 = tpu.memref_slice %arg8[%dma_wait3A_55, %dma_wait3A_59] : memref<80x125xi32, #tpu.memory_space<vmem>> -> memref<1x125xi32, #tpu.memory_space<vmem>>
    %dma_wait3A_61 = tpu.memref_squeeze %dma_wait3A_60 : memref<1x125xi32, #tpu.memory_space<vmem>> -> memref<125xi32, #tpu.memory_space<vmem>>
    %dma_wait3A_62 = arith.constant 0 : i32
    %dma_wait3A_63 = arith.constant 0 : i32
    %dma_wait3A_64 = tpu.memref_slice %arg11[%dma_wait3A_62, %dma_wait3A_63] : memref<10240x128xf32, #tpu.memory_space<vmem_shared>> -> memref<10240x128xf32, #tpu.memory_space<vmem_shared>>
    tpu.wait_indirect_dma semaphore(%arg13 : memref<!tpu.dma_semaphore, #tpu.memory_space<semaphore_mem>>) src(%dma_wait3A_58 : memref<125x128xf32, #tpu.memory_space<vmem>>) dst(%dma_wait3A_64 : memref<10240x128xf32, #tpu.memory_space<vmem_shared>>)
    %dma_wait3A_65 = arith.constant 78 : i32
    %dma_wait3A_66 = arith.constant 0 : i32
    %dma_wait3A_67 = arith.constant 0 : i32
    %dma_wait3A_68 = tpu.memref_slice %arg10[%dma_wait3A_66, %dma_wait3A_67] : memref<128x128xf32, #tpu.memory_space<vmem>> -> memref<125x128xf32, #tpu.memory_space<vmem>>
    %dma_wait3A_69 = arith.constant 0 : i32
    %dma_wait3A_70 = tpu.memref_slice %arg8[%dma_wait3A_65, %dma_wait3A_69] : memref<80x125xi32, #tpu.memory_space<vmem>> -> memref<1x125xi32, #tpu.memory_space<vmem>>
    %dma_wait3A_71 = tpu.memref_squeeze %dma_wait3A_70 : memref<1x125xi32, #tpu.memory_space<vmem>> -> memref<125xi32, #tpu.memory_space<vmem>>
    %dma_wait3A_72 = arith.constant 0 : i32
    %dma_wait3A_73 = arith.constant 0 : i32
    %dma_wait3A_74 = tpu.memref_slice %arg11[%dma_wait3A_72, %dma_wait3A_73] : memref<10240x128xf32, #tpu.memory_space<vmem_shared>> -> memref<10240x128xf32, #tpu.memory_space<vmem_shared>>
    tpu.wait_indirect_dma semaphore(%arg14 : memref<!tpu.dma_semaphore, #tpu.memory_space<semaphore_mem>>) src(%dma_wait3A_68 : memref<125x128xf32, #tpu.memory_space<vmem>>) dst(%dma_wait3A_74 : memref<10240x128xf32, #tpu.memory_space<vmem_shared>>)
    %dma_wait3A_75 = arith.constant 79 : i32
    %dma_wait3A_76 = arith.constant 0 : i32
    %dma_wait3A_77 = arith.constant 0 : i32
    %dma_wait3A_78 = tpu.memref_slice %arg10[%dma_wait3A_76, %dma_wait3A_77] : memref<128x128xf32, #tpu.memory_space<vmem>> -> memref<125x128xf32, #tpu.memory_space<vmem>>
    %dma_wait3A_79 = arith.constant 0 : i32
    %dma_wait3A_80 = tpu.memref_slice %arg8[%dma_wait3A_75, %dma_wait3A_79] : memref<80x125xi32, #tpu.memory_space<vmem>> -> memref<1x125xi32, #tpu.memory_space<vmem>>
    %dma_wait3A_81 = tpu.memref_squeeze %dma_wait3A_80 : memref<1x125xi32, #tpu.memory_space<vmem>> -> memref<125xi32, #tpu.memory_space<vmem>>
    %dma_wait3A_82 = arith.constant 0 : i32
    %dma_wait3A_83 = arith.constant 0 : i32
    %dma_wait3A_84 = tpu.memref_slice %arg11[%dma_wait3A_82, %dma_wait3A_83] : memref<10240x128xf32, #tpu.memory_space<vmem_shared>> -> memref<10240x128xf32, #tpu.memory_space<vmem_shared>>
    tpu.wait_indirect_dma semaphore(%arg15 : memref<!tpu.dma_semaphore, #tpu.memory_space<semaphore_mem>>) src(%dma_wait3A_78 : memref<125x128xf32, #tpu.memory_space<vmem>>) dst(%dma_wait3A_84 : memref<10240x128xf32, #tpu.memory_space<vmem_shared>>)
    %barrier3A_85 = arith.constant 0 : index
    tpu.barrier barrier_id(%barrier3A_85)
    "tpu.region"() ({
      %run_scoped3A = tpu.sem_alloc : memref<!tpu.dma_semaphore, #tpu.memory_space<semaphore_mem>>
      %dma_start3A_175 = arith.constant 0 : i32
      %dma_start3A_176 = arith.constant 0 : i32
      %dma_start3A_177 = tpu.memref_slice %arg6[%arg0, %dma_start3A_175, %dma_start3A_176] : memref<2x10240x128xf32, #tpu.memory_space<hbm>> -> memref<1x10240x128xf32, #tpu.memory_space<hbm>>
      %dma_start3A_178 = tpu.memref_squeeze %dma_start3A_177 : memref<1x10240x128xf32, #tpu.memory_space<hbm>> -> memref<10240x128xf32, #tpu.memory_space<hbm>>
      %dma_start3A_179 = arith.constant 0 : i32
      %dma_start3A_180 = tpu.memref_slice %dma_start3A_178[%mul3A_2, %dma_start3A_179] : memref<10240x128xf32, #tpu.memory_space<hbm>> -> memref<640x128xf32, #tpu.memory_space<hbm>>
      %dma_start3A_181 = arith.constant 0 : i32
      %dma_start3A_182 = tpu.memref_slice %arg11[%mul3A_2, %dma_start3A_181] : memref<10240x128xf32, #tpu.memory_space<vmem_shared>> -> memref<640x128xf32, #tpu.memory_space<vmem_shared>>
      tpu.enqueue_dma source(%dma_start3A_182 : memref<640x128xf32, #tpu.memory_space<vmem_shared>>) target(%dma_start3A_180 : memref<640x128xf32, #tpu.memory_space<hbm>>) target_semaphore(%run_scoped3A : memref<!tpu.dma_semaphore, #tpu.memory_space<semaphore_mem>>)
      %dma_wait3A_183 = arith.constant 0 : i32
      %dma_wait3A_184 = arith.constant 0 : i32
      %dma_wait3A_185 = tpu.memref_slice %arg6[%arg0, %dma_wait3A_183, %dma_wait3A_184] : memref<2x10240x128xf32, #tpu.memory_space<hbm>> -> memref<1x10240x128xf32, #tpu.memory_space<hbm>>
      %dma_wait3A_186 = tpu.memref_squeeze %dma_wait3A_185 : memref<1x10240x128xf32, #tpu.memory_space<hbm>> -> memref<10240x128xf32, #tpu.memory_space<hbm>>
      %dma_wait3A_187 = arith.constant 0 : i32
      %dma_wait3A_188 = tpu.memref_slice %dma_wait3A_186[%mul3A_2, %dma_wait3A_187] : memref<10240x128xf32, #tpu.memory_space<hbm>> -> memref<640x128xf32, #tpu.memory_space<hbm>>
      %dma_wait3A_189 = arith.constant 0 : i32
      %dma_wait3A_190 = tpu.memref_slice %arg11[%mul3A_2, %dma_wait3A_189] : memref<10240x128xf32, #tpu.memory_space<vmem_shared>> -> memref<640x128xf32, #tpu.memory_space<vmem_shared>>
      tpu.wait_dma2 semaphore(%run_scoped3A : memref<!tpu.dma_semaphore, #tpu.memory_space<semaphore_mem>>) src(%dma_wait3A_190 : memref<640x128xf32, #tpu.memory_space<vmem_shared>>) dst(%dma_wait3A_188 : memref<640x128xf32, #tpu.memory_space<hbm>>)
      tpu.yield
    }) : () -> ()
    %barrier3A_86 = arith.constant 0 : index
    tpu.barrier barrier_id(%barrier3A_86)
    "tpu.region"() ({
      %run_scoped3A = tpu.sem_alloc : memref<!tpu.dma_semaphore, #tpu.memory_space<semaphore_mem>>
      %dma_start3A_175 = arith.constant 0 : i32
      %dma_start3A_176 = tpu.memref_slice %arg11[%mul3A_2, %dma_start3A_175] : memref<10240x128xf32, #tpu.memory_space<vmem_shared>> -> memref<640x128xf32, #tpu.memory_space<vmem_shared>>
      %dma_start3A_177 = arith.constant 0 : i32
      %dma_start3A_178 = tpu.memref_slice %arg4[%mul3A_2, %dma_start3A_177] : memref<10240x128xf32, #tpu.memory_space<hbm>> -> memref<640x128xf32, #tpu.memory_space<hbm>>
      tpu.enqueue_dma source(%dma_start3A_178 : memref<640x128xf32, #tpu.memory_space<hbm>>) target(%dma_start3A_176 : memref<640x128xf32, #tpu.memory_space<vmem_shared>>) target_semaphore(%run_scoped3A : memref<!tpu.dma_semaphore, #tpu.memory_space<semaphore_mem>>)
      %dma_wait3A_179 = arith.constant 0 : i32
      %dma_wait3A_180 = tpu.memref_slice %arg11[%mul3A_2, %dma_wait3A_179] : memref<10240x128xf32, #tpu.memory_space<vmem_shared>> -> memref<640x128xf32, #tpu.memory_space<vmem_shared>>
      %dma_wait3A_181 = arith.constant 0 : i32
      %dma_wait3A_182 = tpu.memref_slice %arg4[%mul3A_2, %dma_wait3A_181] : memref<10240x128xf32, #tpu.memory_space<hbm>> -> memref<640x128xf32, #tpu.memory_space<hbm>>
      tpu.wait_dma2 semaphore(%run_scoped3A : memref<!tpu.dma_semaphore, #tpu.memory_space<semaphore_mem>>) src(%dma_wait3A_182 : memref<640x128xf32, #tpu.memory_space<hbm>>) dst(%dma_wait3A_180 : memref<640x128xf32, #tpu.memory_space<vmem_shared>>)
      tpu.yield
    }) : () -> ()
    %barrier3A_87 = arith.constant 0 : index
    tpu.barrier barrier_id(%barrier3A_87)
    %dma_start3A_88 = arith.constant 0 : i32
    %dma_start3A_89 = arith.constant 0 : i32
    %dma_start3A_90 = arith.constant 0 : i32
    %dma_start3A_91 = tpu.memref_slice %arg10[%dma_start3A_89, %dma_start3A_90] : memref<128x128xf32, #tpu.memory_space<vmem>> -> memref<125x128xf32, #tpu.memory_space<vmem>>
    %dma_start3A_92 = arith.constant 0 : i32
    %dma_start3A_93 = tpu.memref_slice %arg9[%dma_start3A_88, %dma_start3A_92] : memref<80x125xi32, #tpu.memory_space<vmem>> -> memref<1x125xi32, #tpu.memory_space<vmem>>
    %dma_start3A_94 = tpu.memref_squeeze %dma_start3A_93 : memref<1x125xi32, #tpu.memory_space<vmem>> -> memref<125xi32, #tpu.memory_space<vmem>>
    %dma_start3A_95 = arith.constant 0 : i32
    %dma_start3A_96 = arith.constant 0 : i32
    %dma_start3A_97 = tpu.memref_slice %arg11[%dma_start3A_95, %dma_start3A_96] : memref<10240x128xf32, #tpu.memory_space<vmem_shared>> -> memref<10240x128xf32, #tpu.memory_space<vmem_shared>>
    tpu.enqueue_indirect_dma source(%dma_start3A_91 : memref<125x128xf32, #tpu.memory_space<vmem>>) target(%dma_start3A_97 : memref<10240x128xf32, #tpu.memory_space<vmem_shared>>) offsets(%dma_start3A_94 : memref<125xi32, #tpu.memory_space<vmem>>) semaphore(%arg12 : memref<!tpu.dma_semaphore, #tpu.memory_space<semaphore_mem>>) {add = true}
    %dma_start3A_98 = arith.constant 1 : i32
    %dma_start3A_99 = arith.constant 0 : i32
    %dma_start3A_100 = arith.constant 0 : i32
    %dma_start3A_101 = tpu.memref_slice %arg10[%dma_start3A_99, %dma_start3A_100] : memref<128x128xf32, #tpu.memory_space<vmem>> -> memref<125x128xf32, #tpu.memory_space<vmem>>
    %dma_start3A_102 = arith.constant 0 : i32
    %dma_start3A_103 = tpu.memref_slice %arg9[%dma_start3A_98, %dma_start3A_102] : memref<80x125xi32, #tpu.memory_space<vmem>> -> memref<1x125xi32, #tpu.memory_space<vmem>>
    %dma_start3A_104 = tpu.memref_squeeze %dma_start3A_103 : memref<1x125xi32, #tpu.memory_space<vmem>> -> memref<125xi32, #tpu.memory_space<vmem>>
    %dma_start3A_105 = arith.constant 0 : i32
    %dma_start3A_106 = arith.constant 0 : i32
    %dma_start3A_107 = tpu.memref_slice %arg11[%dma_start3A_105, %dma_start3A_106] : memref<10240x128xf32, #tpu.memory_space<vmem_shared>> -> memref<10240x128xf32, #tpu.memory_space<vmem_shared>>
    tpu.enqueue_indirect_dma source(%dma_start3A_101 : memref<125x128xf32, #tpu.memory_space<vmem>>) target(%dma_start3A_107 : memref<10240x128xf32, #tpu.memory_space<vmem_shared>>) offsets(%dma_start3A_104 : memref<125xi32, #tpu.memory_space<vmem>>) semaphore(%arg13 : memref<!tpu.dma_semaphore, #tpu.memory_space<semaphore_mem>>) {add = true}
    %dma_start3A_108 = arith.constant 2 : i32
    %dma_start3A_109 = arith.constant 0 : i32
    %dma_start3A_110 = arith.constant 0 : i32
    %dma_start3A_111 = tpu.memref_slice %arg10[%dma_start3A_109, %dma_start3A_110] : memref<128x128xf32, #tpu.memory_space<vmem>> -> memref<125x128xf32, #tpu.memory_space<vmem>>
    %dma_start3A_112 = arith.constant 0 : i32
    %dma_start3A_113 = tpu.memref_slice %arg9[%dma_start3A_108, %dma_start3A_112] : memref<80x125xi32, #tpu.memory_space<vmem>> -> memref<1x125xi32, #tpu.memory_space<vmem>>
    %dma_start3A_114 = tpu.memref_squeeze %dma_start3A_113 : memref<1x125xi32, #tpu.memory_space<vmem>> -> memref<125xi32, #tpu.memory_space<vmem>>
    %dma_start3A_115 = arith.constant 0 : i32
    %dma_start3A_116 = arith.constant 0 : i32
    %dma_start3A_117 = tpu.memref_slice %arg11[%dma_start3A_115, %dma_start3A_116] : memref<10240x128xf32, #tpu.memory_space<vmem_shared>> -> memref<10240x128xf32, #tpu.memory_space<vmem_shared>>
    tpu.enqueue_indirect_dma source(%dma_start3A_111 : memref<125x128xf32, #tpu.memory_space<vmem>>) target(%dma_start3A_117 : memref<10240x128xf32, #tpu.memory_space<vmem_shared>>) offsets(%dma_start3A_114 : memref<125xi32, #tpu.memory_space<vmem>>) semaphore(%arg14 : memref<!tpu.dma_semaphore, #tpu.memory_space<semaphore_mem>>) {add = true}
    %dma_start3A_118 = arith.constant 3 : i32
    %dma_start3A_119 = arith.constant 0 : i32
    %dma_start3A_120 = arith.constant 0 : i32
    %dma_start3A_121 = tpu.memref_slice %arg10[%dma_start3A_119, %dma_start3A_120] : memref<128x128xf32, #tpu.memory_space<vmem>> -> memref<125x128xf32, #tpu.memory_space<vmem>>
    %dma_start3A_122 = arith.constant 0 : i32
    %dma_start3A_123 = tpu.memref_slice %arg9[%dma_start3A_118, %dma_start3A_122] : memref<80x125xi32, #tpu.memory_space<vmem>> -> memref<1x125xi32, #tpu.memory_space<vmem>>
    %dma_start3A_124 = tpu.memref_squeeze %dma_start3A_123 : memref<1x125xi32, #tpu.memory_space<vmem>> -> memref<125xi32, #tpu.memory_space<vmem>>
    %dma_start3A_125 = arith.constant 0 : i32
    %dma_start3A_126 = arith.constant 0 : i32
    %dma_start3A_127 = tpu.memref_slice %arg11[%dma_start3A_125, %dma_start3A_126] : memref<10240x128xf32, #tpu.memory_space<vmem_shared>> -> memref<10240x128xf32, #tpu.memory_space<vmem_shared>>
    tpu.enqueue_indirect_dma source(%dma_start3A_121 : memref<125x128xf32, #tpu.memory_space<vmem>>) target(%dma_start3A_127 : memref<10240x128xf32, #tpu.memory_space<vmem_shared>>) offsets(%dma_start3A_124 : memref<125xi32, #tpu.memory_space<vmem>>) semaphore(%arg15 : memref<!tpu.dma_semaphore, #tpu.memory_space<semaphore_mem>>) {add = true}
    %scan3A_128 = arith.constant 0 : i32
    %scan3A_129 = arith.constant 19 : i32
    %scan3A_130 = arith.addi %scan3A_128, %scan3A_129 : i32
    %scan3A_131 = arith.constant 1 : i32
    scf.for %scan3A_175 = %scan3A_128 to %scan3A_130 step %scan3A_131  : i32 {
      %mul3A_176 = arith.constant 4 : i32
      %mul3A_177 = arith.muli %scan3A_175, %mul3A_176 : i32
      %add3A_178 = arith.constant 0 : i32
      %add3A_179 = arith.addi %add3A_178, %mul3A_177 : i32
      %add3A_180 = arith.constant 0 : i32
      %add3A_181 = arith.addi %add3A_179, %add3A_180 : i32
      %dma_wait3A_182 = arith.constant 0 : i32
      %dma_wait3A_183 = arith.constant 0 : i32
      %dma_wait3A_184 = tpu.memref_slice %arg10[%dma_wait3A_182, %dma_wait3A_183] : memref<128x128xf32, #tpu.memory_space<vmem>> -> memref<125x128xf32, #tpu.memory_space<vmem>>
      %dma_wait3A_185 = arith.constant 0 : i32
      %dma_wait3A_186 = tpu.memref_slice %arg9[%add3A_181, %dma_wait3A_185] : memref<80x125xi32, #tpu.memory_space<vmem>> -> memref<1x125xi32, #tpu.memory_space<vmem>>
      %dma_wait3A_187 = tpu.memref_squeeze %dma_wait3A_186 : memref<1x125xi32, #tpu.memory_space<vmem>> -> memref<125xi32, #tpu.memory_space<vmem>>
      %dma_wait3A_188 = arith.constant 0 : i32
      %dma_wait3A_189 = arith.constant 0 : i32
      %dma_wait3A_190 = tpu.memref_slice %arg11[%dma_wait3A_188, %dma_wait3A_189] : memref<10240x128xf32, #tpu.memory_space<vmem_shared>> -> memref<10240x128xf32, #tpu.memory_space<vmem_shared>>
      tpu.wait_indirect_dma semaphore(%arg12 : memref<!tpu.dma_semaphore, #tpu.memory_space<semaphore_mem>>) src(%dma_wait3A_184 : memref<125x128xf32, #tpu.memory_space<vmem>>) dst(%dma_wait3A_190 : memref<10240x128xf32, #tpu.memory_space<vmem_shared>>)
      %add3A_191 = arith.constant 4 : i32
      %add3A_192 = arith.addi %add3A_179, %add3A_191 : i32
      %add3A_193 = arith.constant 0 : i32
      %add3A_194 = arith.addi %add3A_192, %add3A_193 : i32
      %dma_start3A_195 = arith.constant 0 : i32
      %dma_start3A_196 = arith.constant 0 : i32
      %dma_start3A_197 = tpu.memref_slice %arg10[%dma_start3A_195, %dma_start3A_196] : memref<128x128xf32, #tpu.memory_space<vmem>> -> memref<125x128xf32, #tpu.memory_space<vmem>>
      %dma_start3A_198 = arith.constant 0 : i32
      %dma_start3A_199 = tpu.memref_slice %arg9[%add3A_194, %dma_start3A_198] : memref<80x125xi32, #tpu.memory_space<vmem>> -> memref<1x125xi32, #tpu.memory_space<vmem>>
      %dma_start3A_200 = tpu.memref_squeeze %dma_start3A_199 : memref<1x125xi32, #tpu.memory_space<vmem>> -> memref<125xi32, #tpu.memory_space<vmem>>
      %dma_start3A_201 = arith.constant 0 : i32
      %dma_start3A_202 = arith.constant 0 : i32
      %dma_start3A_203 = tpu.memref_slice %arg11[%dma_start3A_201, %dma_start3A_202] : memref<10240x128xf32, #tpu.memory_space<vmem_shared>> -> memref<10240x128xf32, #tpu.memory_space<vmem_shared>>
      tpu.enqueue_indirect_dma source(%dma_start3A_197 : memref<125x128xf32, #tpu.memory_space<vmem>>) target(%dma_start3A_203 : memref<10240x128xf32, #tpu.memory_space<vmem_shared>>) offsets(%dma_start3A_200 : memref<125xi32, #tpu.memory_space<vmem>>) semaphore(%arg12 : memref<!tpu.dma_semaphore, #tpu.memory_space<semaphore_mem>>) {add = true}
      %add3A_204 = arith.constant 1 : i32
      %add3A_205 = arith.addi %add3A_179, %add3A_204 : i32
      %dma_wait3A_206 = arith.constant 0 : i32
      %dma_wait3A_207 = arith.constant 0 : i32
      %dma_wait3A_208 = tpu.memref_slice %arg10[%dma_wait3A_206, %dma_wait3A_207] : memref<128x128xf32, #tpu.memory_space<vmem>> -> memref<125x128xf32, #tpu.memory_space<vmem>>
      %dma_wait3A_209 = arith.constant 0 : i32
      %dma_wait3A_210 = tpu.memref_slice %arg9[%add3A_205, %dma_wait3A_209] : memref<80x125xi32, #tpu.memory_space<vmem>> -> memref<1x125xi32, #tpu.memory_space<vmem>>
      %dma_wait3A_211 = tpu.memref_squeeze %dma_wait3A_210 : memref<1x125xi32, #tpu.memory_space<vmem>> -> memref<125xi32, #tpu.memory_space<vmem>>
      %dma_wait3A_212 = arith.constant 0 : i32
      %dma_wait3A_213 = arith.constant 0 : i32
      %dma_wait3A_214 = tpu.memref_slice %arg11[%dma_wait3A_212, %dma_wait3A_213] : memref<10240x128xf32, #tpu.memory_space<vmem_shared>> -> memref<10240x128xf32, #tpu.memory_space<vmem_shared>>
      tpu.wait_indirect_dma semaphore(%arg13 : memref<!tpu.dma_semaphore, #tpu.memory_space<semaphore_mem>>) src(%dma_wait3A_208 : memref<125x128xf32, #tpu.memory_space<vmem>>) dst(%dma_wait3A_214 : memref<10240x128xf32, #tpu.memory_space<vmem_shared>>)
      %add3A_215 = arith.constant 4 : i32
      %add3A_216 = arith.addi %add3A_179, %add3A_215 : i32
      %add3A_217 = arith.constant 1 : i32
      %add3A_218 = arith.addi %add3A_216, %add3A_217 : i32
      %dma_start3A_219 = arith.constant 0 : i32
      %dma_start3A_220 = arith.constant 0 : i32
      %dma_start3A_221 = tpu.memref_slice %arg10[%dma_start3A_219, %dma_start3A_220] : memref<128x128xf32, #tpu.memory_space<vmem>> -> memref<125x128xf32, #tpu.memory_space<vmem>>
      %dma_start3A_222 = arith.constant 0 : i32
      %dma_start3A_223 = tpu.memref_slice %arg9[%add3A_218, %dma_start3A_222] : memref<80x125xi32, #tpu.memory_space<vmem>> -> memref<1x125xi32, #tpu.memory_space<vmem>>
      %dma_start3A_224 = tpu.memref_squeeze %dma_start3A_223 : memref<1x125xi32, #tpu.memory_space<vmem>> -> memref<125xi32, #tpu.memory_space<vmem>>
      %dma_start3A_225 = arith.constant 0 : i32
      %dma_start3A_226 = arith.constant 0 : i32
      %dma_start3A_227 = tpu.memref_slice %arg11[%dma_start3A_225, %dma_start3A_226] : memref<10240x128xf32, #tpu.memory_space<vmem_shared>> -> memref<10240x128xf32, #tpu.memory_space<vmem_shared>>
      tpu.enqueue_indirect_dma source(%dma_start3A_221 : memref<125x128xf32, #tpu.memory_space<vmem>>) target(%dma_start3A_227 : memref<10240x128xf32, #tpu.memory_space<vmem_shared>>) offsets(%dma_start3A_224 : memref<125xi32, #tpu.memory_space<vmem>>) semaphore(%arg13 : memref<!tpu.dma_semaphore, #tpu.memory_space<semaphore_mem>>) {add = true}
      %add3A_228 = arith.constant 2 : i32
      %add3A_229 = arith.addi %add3A_179, %add3A_228 : i32
      %dma_wait3A_230 = arith.constant 0 : i32
      %dma_wait3A_231 = arith.constant 0 : i32
      %dma_wait3A_232 = tpu.memref_slice %arg10[%dma_wait3A_230, %dma_wait3A_231] : memref<128x128xf32, #tpu.memory_space<vmem>> -> memref<125x128xf32, #tpu.memory_space<vmem>>
      %dma_wait3A_233 = arith.constant 0 : i32
      %dma_wait3A_234 = tpu.memref_slice %arg9[%add3A_229, %dma_wait3A_233] : memref<80x125xi32, #tpu.memory_space<vmem>> -> memref<1x125xi32, #tpu.memory_space<vmem>>
      %dma_wait3A_235 = tpu.memref_squeeze %dma_wait3A_234 : memref<1x125xi32, #tpu.memory_space<vmem>> -> memref<125xi32, #tpu.memory_space<vmem>>
      %dma_wait3A_236 = arith.constant 0 : i32
      %dma_wait3A_237 = arith.constant 0 : i32
      %dma_wait3A_238 = tpu.memref_slice %arg11[%dma_wait3A_236, %dma_wait3A_237] : memref<10240x128xf32, #tpu.memory_space<vmem_shared>> -> memref<10240x128xf32, #tpu.memory_space<vmem_shared>>
      tpu.wait_indirect_dma semaphore(%arg14 : memref<!tpu.dma_semaphore, #tpu.memory_space<semaphore_mem>>) src(%dma_wait3A_232 : memref<125x128xf32, #tpu.memory_space<vmem>>) dst(%dma_wait3A_238 : memref<10240x128xf32, #tpu.memory_space<vmem_shared>>)
      %add3A_239 = arith.constant 4 : i32
      %add3A_240 = arith.addi %add3A_179, %add3A_239 : i32
      %add3A_241 = arith.constant 2 : i32
      %add3A_242 = arith.addi %add3A_240, %add3A_241 : i32
      %dma_start3A_243 = arith.constant 0 : i32
      %dma_start3A_244 = arith.constant 0 : i32
      %dma_start3A_245 = tpu.memref_slice %arg10[%dma_start3A_243, %dma_start3A_244] : memref<128x128xf32, #tpu.memory_space<vmem>> -> memref<125x128xf32, #tpu.memory_space<vmem>>
      %dma_start3A_246 = arith.constant 0 : i32
      %dma_start3A_247 = tpu.memref_slice %arg9[%add3A_242, %dma_start3A_246] : memref<80x125xi32, #tpu.memory_space<vmem>> -> memref<1x125xi32, #tpu.memory_space<vmem>>
      %dma_start3A_248 = tpu.memref_squeeze %dma_start3A_247 : memref<1x125xi32, #tpu.memory_space<vmem>> -> memref<125xi32, #tpu.memory_space<vmem>>
      %dma_start3A_249 = arith.constant 0 : i32
      %dma_start3A_250 = arith.constant 0 : i32
      %dma_start3A_251 = tpu.memref_slice %arg11[%dma_start3A_249, %dma_start3A_250] : memref<10240x128xf32, #tpu.memory_space<vmem_shared>> -> memref<10240x128xf32, #tpu.memory_space<vmem_shared>>
      tpu.enqueue_indirect_dma source(%dma_start3A_245 : memref<125x128xf32, #tpu.memory_space<vmem>>) target(%dma_start3A_251 : memref<10240x128xf32, #tpu.memory_space<vmem_shared>>) offsets(%dma_start3A_248 : memref<125xi32, #tpu.memory_space<vmem>>) semaphore(%arg14 : memref<!tpu.dma_semaphore, #tpu.memory_space<semaphore_mem>>) {add = true}
      %add3A_252 = arith.constant 3 : i32
      %add3A_253 = arith.addi %add3A_179, %add3A_252 : i32
      %dma_wait3A_254 = arith.constant 0 : i32
      %dma_wait3A_255 = arith.constant 0 : i32
      %dma_wait3A_256 = tpu.memref_slice %arg10[%dma_wait3A_254, %dma_wait3A_255] : memref<128x128xf32, #tpu.memory_space<vmem>> -> memref<125x128xf32, #tpu.memory_space<vmem>>
      %dma_wait3A_257 = arith.constant 0 : i32
      %dma_wait3A_258 = tpu.memref_slice %arg9[%add3A_253, %dma_wait3A_257] : memref<80x125xi32, #tpu.memory_space<vmem>> -> memref<1x125xi32, #tpu.memory_space<vmem>>
      %dma_wait3A_259 = tpu.memref_squeeze %dma_wait3A_258 : memref<1x125xi32, #tpu.memory_space<vmem>> -> memref<125xi32, #tpu.memory_space<vmem>>
      %dma_wait3A_260 = arith.constant 0 : i32
      %dma_wait3A_261 = arith.constant 0 : i32
      %dma_wait3A_262 = tpu.memref_slice %arg11[%dma_wait3A_260, %dma_wait3A_261] : memref<10240x128xf32, #tpu.memory_space<vmem_shared>> -> memref<10240x128xf32, #tpu.memory_space<vmem_shared>>
      tpu.wait_indirect_dma semaphore(%arg15 : memref<!tpu.dma_semaphore, #tpu.memory_space<semaphore_mem>>) src(%dma_wait3A_256 : memref<125x128xf32, #tpu.memory_space<vmem>>) dst(%dma_wait3A_262 : memref<10240x128xf32, #tpu.memory_space<vmem_shared>>)
      %add3A_263 = arith.constant 4 : i32
      %add3A_264 = arith.addi %add3A_179, %add3A_263 : i32
      %add3A_265 = arith.constant 3 : i32
      %add3A_266 = arith.addi %add3A_264, %add3A_265 : i32
      %dma_start3A_267 = arith.constant 0 : i32
      %dma_start3A_268 = arith.constant 0 : i32
      %dma_start3A_269 = tpu.memref_slice %arg10[%dma_start3A_267, %dma_start3A_268] : memref<128x128xf32, #tpu.memory_space<vmem>> -> memref<125x128xf32, #tpu.memory_space<vmem>>
      %dma_start3A_270 = arith.constant 0 : i32
      %dma_start3A_271 = tpu.memref_slice %arg9[%add3A_266, %dma_start3A_270] : memref<80x125xi32, #tpu.memory_space<vmem>> -> memref<1x125xi32, #tpu.memory_space<vmem>>
      %dma_start3A_272 = tpu.memref_squeeze %dma_start3A_271 : memref<1x125xi32, #tpu.memory_space<vmem>> -> memref<125xi32, #tpu.memory_space<vmem>>
      %dma_start3A_273 = arith.constant 0 : i32
      %dma_start3A_274 = arith.constant 0 : i32
      %dma_start3A_275 = tpu.memref_slice %arg11[%dma_start3A_273, %dma_start3A_274] : memref<10240x128xf32, #tpu.memory_space<vmem_shared>> -> memref<10240x128xf32, #tpu.memory_space<vmem_shared>>
      tpu.enqueue_indirect_dma source(%dma_start3A_269 : memref<125x128xf32, #tpu.memory_space<vmem>>) target(%dma_start3A_275 : memref<10240x128xf32, #tpu.memory_space<vmem_shared>>) offsets(%dma_start3A_272 : memref<125xi32, #tpu.memory_space<vmem>>) semaphore(%arg15 : memref<!tpu.dma_semaphore, #tpu.memory_space<semaphore_mem>>) {add = true}
    }
    %scan3A_132 = arith.constant 19 : i32
    %dma_wait3A_133 = arith.constant 76 : i32
    %dma_wait3A_134 = arith.constant 0 : i32
    %dma_wait3A_135 = arith.constant 0 : i32
    %dma_wait3A_136 = tpu.memref_slice %arg10[%dma_wait3A_134, %dma_wait3A_135] : memref<128x128xf32, #tpu.memory_space<vmem>> -> memref<125x128xf32, #tpu.memory_space<vmem>>
    %dma_wait3A_137 = arith.constant 0 : i32
    %dma_wait3A_138 = tpu.memref_slice %arg9[%dma_wait3A_133, %dma_wait3A_137] : memref<80x125xi32, #tpu.memory_space<vmem>> -> memref<1x125xi32, #tpu.memory_space<vmem>>
    %dma_wait3A_139 = tpu.memref_squeeze %dma_wait3A_138 : memref<1x125xi32, #tpu.memory_space<vmem>> -> memref<125xi32, #tpu.memory_space<vmem>>
    %dma_wait3A_140 = arith.constant 0 : i32
    %dma_wait3A_141 = arith.constant 0 : i32
    %dma_wait3A_142 = tpu.memref_slice %arg11[%dma_wait3A_140, %dma_wait3A_141] : memref<10240x128xf32, #tpu.memory_space<vmem_shared>> -> memref<10240x128xf32, #tpu.memory_space<vmem_shared>>
    tpu.wait_indirect_dma semaphore(%arg12 : memref<!tpu.dma_semaphore, #tpu.memory_space<semaphore_mem>>) src(%dma_wait3A_136 : memref<125x128xf32, #tpu.memory_space<vmem>>) dst(%dma_wait3A_142 : memref<10240x128xf32, #tpu.memory_space<vmem_shared>>)
    %dma_wait3A_143 = arith.constant 77 : i32
    %dma_wait3A_144 = arith.constant 0 : i32
    %dma_wait3A_145 = arith.constant 0 : i32
    %dma_wait3A_146 = tpu.memref_slice %arg10[%dma_wait3A_144, %dma_wait3A_145] : memref<128x128xf32, #tpu.memory_space<vmem>> -> memref<125x128xf32, #tpu.memory_space<vmem>>
    %dma_wait3A_147 = arith.constant 0 : i32
    %dma_wait3A_148 = tpu.memref_slice %arg9[%dma_wait3A_143, %dma_wait3A_147] : memref<80x125xi32, #tpu.memory_space<vmem>> -> memref<1x125xi32, #tpu.memory_space<vmem>>
    %dma_wait3A_149 = tpu.memref_squeeze %dma_wait3A_148 : memref<1x125xi32, #tpu.memory_space<vmem>> -> memref<125xi32, #tpu.memory_space<vmem>>
    %dma_wait3A_150 = arith.constant 0 : i32
    %dma_wait3A_151 = arith.constant 0 : i32
    %dma_wait3A_152 = tpu.memref_slice %arg11[%dma_wait3A_150, %dma_wait3A_151] : memref<10240x128xf32, #tpu.memory_space<vmem_shared>> -> memref<10240x128xf32, #tpu.memory_space<vmem_shared>>
    tpu.wait_indirect_dma semaphore(%arg13 : memref<!tpu.dma_semaphore, #tpu.memory_space<semaphore_mem>>) src(%dma_wait3A_146 : memref<125x128xf32, #tpu.memory_space<vmem>>) dst(%dma_wait3A_152 : memref<10240x128xf32, #tpu.memory_space<vmem_shared>>)
    %dma_wait3A_153 = arith.constant 78 : i32
    %dma_wait3A_154 = arith.constant 0 : i32
    %dma_wait3A_155 = arith.constant 0 : i32
    %dma_wait3A_156 = tpu.memref_slice %arg10[%dma_wait3A_154, %dma_wait3A_155] : memref<128x128xf32, #tpu.memory_space<vmem>> -> memref<125x128xf32, #tpu.memory_space<vmem>>
    %dma_wait3A_157 = arith.constant 0 : i32
    %dma_wait3A_158 = tpu.memref_slice %arg9[%dma_wait3A_153, %dma_wait3A_157] : memref<80x125xi32, #tpu.memory_space<vmem>> -> memref<1x125xi32, #tpu.memory_space<vmem>>
    %dma_wait3A_159 = tpu.memref_squeeze %dma_wait3A_158 : memref<1x125xi32, #tpu.memory_space<vmem>> -> memref<125xi32, #tpu.memory_space<vmem>>
    %dma_wait3A_160 = arith.constant 0 : i32
    %dma_wait3A_161 = arith.constant 0 : i32
    %dma_wait3A_162 = tpu.memref_slice %arg11[%dma_wait3A_160, %dma_wait3A_161] : memref<10240x128xf32, #tpu.memory_space<vmem_shared>> -> memref<10240x128xf32, #tpu.memory_space<vmem_shared>>
    tpu.wait_indirect_dma semaphore(%arg14 : memref<!tpu.dma_semaphore, #tpu.memory_space<semaphore_mem>>) src(%dma_wait3A_156 : memref<125x128xf32, #tpu.memory_space<vmem>>) dst(%dma_wait3A_162 : memref<10240x128xf32, #tpu.memory_space<vmem_shared>>)
    %dma_wait3A_163 = arith.constant 79 : i32
    %dma_wait3A_164 = arith.constant 0 : i32
    %dma_wait3A_165 = arith.constant 0 : i32
    %dma_wait3A_166 = tpu.memref_slice %arg10[%dma_wait3A_164, %dma_wait3A_165] : memref<128x128xf32, #tpu.memory_space<vmem>> -> memref<125x128xf32, #tpu.memory_space<vmem>>
    %dma_wait3A_167 = arith.constant 0 : i32
    %dma_wait3A_168 = tpu.memref_slice %arg9[%dma_wait3A_163, %dma_wait3A_167] : memref<80x125xi32, #tpu.memory_space<vmem>> -> memref<1x125xi32, #tpu.memory_space<vmem>>
    %dma_wait3A_169 = tpu.memref_squeeze %dma_wait3A_168 : memref<1x125xi32, #tpu.memory_space<vmem>> -> memref<125xi32, #tpu.memory_space<vmem>>
    %dma_wait3A_170 = arith.constant 0 : i32
    %dma_wait3A_171 = arith.constant 0 : i32
    %dma_wait3A_172 = tpu.memref_slice %arg11[%dma_wait3A_170, %dma_wait3A_171] : memref<10240x128xf32, #tpu.memory_space<vmem_shared>> -> memref<10240x128xf32, #tpu.memory_space<vmem_shared>>
    tpu.wait_indirect_dma semaphore(%arg15 : memref<!tpu.dma_semaphore, #tpu.memory_space<semaphore_mem>>) src(%dma_wait3A_166 : memref<125x128xf32, #tpu.memory_space<vmem>>) dst(%dma_wait3A_172 : memref<10240x128xf32, #tpu.memory_space<vmem_shared>>)
    %barrier3A_173 = arith.constant 0 : index
    tpu.barrier barrier_id(%barrier3A_173)
    "tpu.region"() ({
      %run_scoped3A = tpu.sem_alloc : memref<!tpu.dma_semaphore, #tpu.memory_space<semaphore_mem>>
      %dma_start3A_175 = arith.constant 0 : i32
      %dma_start3A_176 = arith.constant 0 : i32
      %dma_start3A_177 = tpu.memref_slice %arg7[%arg0, %dma_start3A_175, %dma_start3A_176] : memref<2x10240x128xf32, #tpu.memory_space<hbm>> -> memref<1x10240x128xf32, #tpu.memory_space<hbm>>
      %dma_start3A_178 = tpu.memref_squeeze %dma_start3A_177 : memref<1x10240x128xf32, #tpu.memory_space<hbm>> -> memref<10240x128xf32, #tpu.memory_space<hbm>>
      %dma_start3A_179 = arith.constant 0 : i32
      %dma_start3A_180 = tpu.memref_slice %dma_start3A_178[%mul3A_2, %dma_start3A_179] : memref<10240x128xf32, #tpu.memory_space<hbm>> -> memref<640x128xf32, #tpu.memory_space<hbm>>
      %dma_start3A_181 = arith.constant 0 : i32
      %dma_start3A_182 = tpu.memref_slice %arg11[%mul3A_2, %dma_start3A_181] : memref<10240x128xf32, #tpu.memory_space<vmem_shared>> -> memref<640x128xf32, #tpu.memory_space<vmem_shared>>
      tpu.enqueue_dma source(%dma_start3A_182 : memref<640x128xf32, #tpu.memory_space<vmem_shared>>) target(%dma_start3A_180 : memref<640x128xf32, #tpu.memory_space<hbm>>) target_semaphore(%run_scoped3A : memref<!tpu.dma_semaphore, #tpu.memory_space<semaphore_mem>>)
      %dma_wait3A_183 = arith.constant 0 : i32
      %dma_wait3A_184 = arith.constant 0 : i32
      %dma_wait3A_185 = tpu.memref_slice %arg7[%arg0, %dma_wait3A_183, %dma_wait3A_184] : memref<2x10240x128xf32, #tpu.memory_space<hbm>> -> memref<1x10240x128xf32, #tpu.memory_space<hbm>>
      %dma_wait3A_186 = tpu.memref_squeeze %dma_wait3A_185 : memref<1x10240x128xf32, #tpu.memory_space<hbm>> -> memref<10240x128xf32, #tpu.memory_space<hbm>>
      %dma_wait3A_187 = arith.constant 0 : i32
      %dma_wait3A_188 = tpu.memref_slice %dma_wait3A_186[%mul3A_2, %dma_wait3A_187] : memref<10240x128xf32, #tpu.memory_space<hbm>> -> memref<640x128xf32, #tpu.memory_space<hbm>>
      %dma_wait3A_189 = arith.constant 0 : i32
      %dma_wait3A_190 = tpu.memref_slice %arg11[%mul3A_2, %dma_wait3A_189] : memref<10240x128xf32, #tpu.memory_space<vmem_shared>> -> memref<640x128xf32, #tpu.memory_space<vmem_shared>>
      tpu.wait_dma2 semaphore(%run_scoped3A : memref<!tpu.dma_semaphore, #tpu.memory_space<semaphore_mem>>) src(%dma_wait3A_190 : memref<640x128xf32, #tpu.memory_space<vmem_shared>>) dst(%dma_wait3A_188 : memref<640x128xf32, #tpu.memory_space<hbm>>)
      tpu.yield
    }) : () -> ()
    %barrier3A_174 = arith.constant 0 : index
    tpu.barrier barrier_id(%barrier3A_174)
    return
  }
}

</mosaic_0001>

<sc_bundles>
// kernel: _sc_hist.3.cloned.1.call-start
scs
__scs_entry_jumppad:
0x0: {  	(pc) =	sbr.rel $0x88, $3  }
0x1: {  	(tag) =	ssettag $0x0;
	lr =	simm.s32 $0x1  }
0x2: {  	[smem:$0x3F9D] =	sst lr;
	_ =	strace $0xD0000000  }
0x3: {  	_ = 	snop  }
0x4: {  	_ = 	snop  }
0x5: {  	_ = 	snop  }
0x6: {  	_ = 	snop  }
0x7: {  	_ = 	snop  }
__scs_overlays_trampoline_lowered:
0x8: {  	[smem:$0x3FAC] =	sst s0  }
0x9: {  	[smem:$0x3FAD] =	sst s1  }
0xa: {  	[smem:$0x3FAE] =	sst s2  }
0xb: {  	[smem:$0x3FAF] =	sst s3  }
0xc: {  	[smem:$0x3FB0] =	sst s4  }
0xd: {  	[smem:$0x3FB1] =	sst s5  }
0xe: {  	[smem:$0x3FB2] =	sst s6  }
0xf: {  	[smem:$0x3FB3] =	sst s7  }
0x10: {  	[smem:$0x3FB4] =	sst s8  }
0x11: {  	[smem:$0x3FB5] =	sst s9;
	s0 =	simm.s32 @!p0 $0x0  }
0x12: {  	s1 =	sld [smem:$0x3F9B];
	s0 =	simm.s32 @p0 $0x1  }
0x13: {  	[smem:$0x3FB6] =	sst s0;
	s0 =	simm.s32 @!p1 $0x0  }
0x14: {  	s2 =	sld [smem:$0x3F9A];
	s0 =	simm.s32 @p1 $0x1  }
0x15: {  	[smem:$0x3FB7] =	sst s0;
	s0 =	simm.s32 @!p2 $0x0  }
0x16: {  	s3 =	sld [smem:$0x3FDB];
	s0 =	simm.s32 @p2 $0x1  }
0x17: {  	s4 =	simm.s32 $0x1BF5;
	[smem:$0x3FB9] =	sst s0  }
0x18: {  	s0 =	sld [smem:$0x3F9C];
	_ =	swait.ge [sflag:s4], $0x0  }
0x19: {  	s7 =	sld [smem:$0x3F9D]  }
0x1a: {  	s8 =	sadd.s32 $0xFFFFE003, lr  }
0x1b: {  	s9 =	sadd.s32 $0xFFFFFEF7, lr;
	s5 =	simm.s32 $0xFFFFFFFF;
	p2 =	slt.u32 s8, $0xFFFFF086  }
0x1c: {  	p1 =	slt.u32 s9, $0xF7A;
	s5 =	simm.s32 @!p2 $0x0  }
0x1d: {  	s5 =	simm.s32 @p1 $0x1;
	p0 =	seq.s32 s7, s2  }
0x1e: {  	s7 =	smul.u32 @!p0 $0xF7A, s2;
	p2 =	seq.s32 @!p0 s5, $0x0  }
0x1f: {  	s9 =	smul.u32 $0xF7A, s1;
	s8 =	simm.s32 @!p0 $0x1BF5;
	p2 =	por !p2, p0  }
0x20: {  	[sflag:s8] =	ssyncset.s32 @!p0 $0xFFFFF086;
	s6 =	sadd.s32 @!p0 s3, s7;
	s7 =	simm.s32 @!p0 $0x108  }
0x21: {  	s3 =	sadd.s32 s3, s9;
	s6 =	sadd.s32 @!p0 $0x88, s6;
	s7 =	simm.s32 @p2 $0x1082  }
0x22: {  	[simem:s7], [sflag:s8] =	dma.local @!p0 [hbm:s6], $0xF7A  }
0x23: {  	s9 =	sor.u32 $0xD0000000, s2;
	s6 =	simm.s32 $0x108;
	_ =	swait.ge @!p0 [sflag:s8], $0x0  }
0x24: {  	s3 =	sadd.s32 $0x88, s3;
	s6 =	simm.s32 @!p1 $0x1082;
	[sflag:s4] =	ssyncset.s32 $0xFFFFF086  }
0x25: {  	[simem:s6], [sflag:s4] =	dma.local [hbm:s3], $0xF7A  }
0x26: {  	[smem:$0x3F9D] =	sst s1;
	(tag) =	ssettag s2;
	_ =	strace s9  }
0x27: {  	s1 =	sld [smem:$0x3FAD]  }
0x28: {  	s2 =	sld [smem:$0x3FAE]  }
0x29: {  	s4 =	sld [smem:$0x3FB0]  }
0x2a: {  	p0 =	seq.s32 s5, $0x0;
	s5 =	sld [smem:$0x3FB1]  }
0x2b: {  	s6 =	sld [smem:$0x3FB2]  }
0x2c: {  	s7 =	sld [smem:$0x3FB3]  }
0x2d: {  	s3 =	simm.s32 $0x108;
	s8 =	sld [smem:$0x3FB4]  }
0x2e: {  	s3 =	simm.s32 @!p0 $0x1082;
	s9 =	sld [smem:$0x3FB5]  }
0x2f: {  	lr =	sadd.s32 s0, s3;
	s0 =	sld [smem:$0x3FAC]  }
0x30: {  	s3 =	sld [smem:$0x3FAF]  }
0x31: {  	[smem:$0x3FB8] =	sst s10  }
0x32: {  	s10 =	sld [smem:$0x3FB6];
	_ =	sdelay $0x3  }
0x33: {  	p0 =	seq.s32 s10, $0x1;
	s10 =	sld [smem:$0x3FB8];
	_ =	sdelay $0x3  }
0x34: {  	[smem:$0x3FB8] =	sst s10  }
0x35: {  	s10 =	sld [smem:$0x3FB7];
	_ =	sdelay $0x3  }
0x36: {  	p1 =	seq.s32 s10, $0x1;
	s10 =	sld [smem:$0x3FB8];
	_ =	sdelay $0x3  }
0x37: {  	[smem:$0x3FB8] =	sst s10  }
0x38: {  	s10 =	sld [smem:$0x3FB9]  }
0x39: {  	_ = 	snop;
	(pc) =	sbr.ind lr, $3  }
0x3a: {  	_ = 	snop  }
0x3b: {  	_ = 	snop  }
0x3c: {  	p2 =	seq.s32 s10, $0x1;
	s10 =	sld [smem:$0x3FB8]  }
0x3d: {  	_ =	shalt  }
0x3e: {  	_ =	shalt  }
0x3f: {  	_ =	shalt  }
0x40: {  	_ =	shalt  }
0x41: {  	_ =	shalt  }
0x42: {  	_ =	shalt  }
0x43: {  	_ =	shalt  }
0x44: {  	_ =	shalt  }
0x45: {  	_ =	shalt  }
0x46: {  	_ =	shalt  }
0x47: {  	_ =	shalt  }
0x48: {  	_ =	shalt  }
0x49: {  	_ =	shalt  }
0x4a: {  	_ =	shalt  }
0x4b: {  	_ =	shalt  }
0x4c: {  	_ =	shalt  }
0x4d: {  	_ =	shalt  }
0x4e: {  	_ =	shalt  }
0x4f: {  	_ =	shalt  }
0x50: {  	_ =	shalt  }
0x51: {  	_ =	shalt  }
0x52: {  	_ =	shalt  }
0x53: {  	_ =	shalt  }
0x54: {  	_ =	shalt  }
0x55: {  	_ =	shalt  }
0x56: {  	_ =	shalt  }
0x57: {  	_ =	shalt  }
0x58: {  	_ =	shalt  }
0x59: {  	_ =	shalt  }
0x5a: {  	_ =	shalt  }
0x5b: {  	_ =	shalt  }
0x5c: {  	_ =	shalt  }
0x5d: {  	_ =	shalt  }
0x5e: {  	_ =	shalt  }
0x5f: {  	_ =	shalt  }
0x60: {  	_ =	shalt  }
0x61: {  	_ =	shalt  }
0x62: {  	_ =	shalt  }
0x63: {  	_ =	shalt  }
0x64: {  	_ =	shalt  }
0x65: {  	_ =	shalt  }
0x66: {  	_ =	shalt  }
0x67: {  	_ =	shalt  }
0x68: {  	_ =	shalt  }
0x69: {  	_ =	shalt  }
0x6a: {  	_ =	shalt  }
0x6b: {  	_ =	shalt  }
0x6c: {  	_ =	shalt  }
0x6d: {  	_ =	shalt  }
0x6e: {  	_ =	shalt  }
0x6f: {  	_ =	shalt  }
0x70: {  	_ =	shalt  }
0x71: {  	_ =	shalt  }
0x72: {  	_ =	shalt  }
0x73: {  	_ =	shalt  }
0x74: {  	_ =	shalt  }
0x75: {  	_ =	shalt  }
0x76: {  	_ =	shalt  }
0x77: {  	_ =	shalt  }
0x78: {  	_ =	shalt  }
0x79: {  	_ =	shalt  }
0x7a: {  	_ =	shalt  }
0x7b: {  	_ =	shalt  }
0x7c: {  	_ =	shalt  }
0x7d: {  	_ =	shalt  }
0x7e: {  	_ =	shalt  }
0x7f: {  	_ =	shalt  }
0x80: {  	_ =	shalt  }
0x81: {  	_ =	shalt  }
0x82: {  	_ =	shalt  }
0x83: {  	_ =	shalt  }
0x84: {  	_ =	shalt  }
0x85: {  	_ =	shalt  }
0x86: {  	_ =	shalt  }
0x87: {  	_ =	shalt  }
.Lfunc_end0:
.L_simem_size_0:
called_computation_lowered:
.L_overlay_start_0:
0x88: {  	s2 =	sld [smem:$0x3FD9]  }
0x89: {  	s3 =	sld [smem:$0x3FFE];
	_ =	sdelay $0x1  }
0x8a: {  	s1 =	srdreg.scid  }
0x8b: {  	s0 =	sand.u32 $0x1, s1  }
0x8c: {  	s15 =	sshll.u32 s0, $0xA;
	s2 =	sadd.s32 s3, s2  }
0x8d: {  	s2 =	sadd.s32 s2, s15  }
0x8e: {  	[smem:$0x3FC4] =	sst s2  }
0x8f: {  	_ = 	snop  }
0x90: {  	s2 =	sld [smem:$0x3FC9]  }
0x91: {  	s16 =	sld [smem:$0x3FD0]  }
0x92: {  	s4 =	sld [smem:$0x3FC8]  }
0x93: {  	s5 =	sld [smem:$0x3FC7]  }
0x94: {  	s7 =	simm.s32 $0xA;
	s8 =	simm.s32 $0x10;
	s6 =	sld [smem:$0x3FC6]  }
0x95: {  	[smem:s8], [sflag:s7] =	dma.local [hbm:s16], $0x1  }
0x96: {  	_ =	swait.eq [sflag:s7], $0x1  }
0x97: {  	[sflag:s7] =	ssyncset.done $0x0  }
0x98: {  	s17 =	sld [smem:$0x10];
	[sflag:s7] =	ssyncadd.s32 $0xFFFFFFFF  }
0x99: {  	s18 =	sld [smem:$0x11];
	(tm) =	ssettm $0x1  }
0x9a: {  	s19 =	sld [smem:$0x3FFB];
	_ =	sdelay $0x3  }
0x9b: {  	_ =	strace s19  }
0x9c: {  	s8 =	sld [smem:$0x3FFC];
	_ =	sdelay $0x3  }
0x9d: {  	_ =	strace s8  }
0x9e: {  	s8 =	sld [smem:$0x3FFD];
	_ =	sdelay $0x3  }
0x9f: {  	_ =	strace s8  }
0xa0: {  	_ =	strace $0x8FFFFFFF  }
0xa1: {  	s20 =	sld [smem:$0x3FDB];
	_ =	sdelay $0x1  }
0xa2: {  	s9 =	simm.s32 $_scs_section_size  }
0xa3: {  	s10 =	simm.s32 $_size__tile_overlayer_lowered;
	s11 =	simm.s32 $_tile_overlayer_lowered  }
0xa4: {  	s23 =	simm.s32 $0x1BFF;
	s22 =	sshll.u32 s11, $0x1;
	s8 =	sadd.s32 s9, s20  }
0xa5: {  	s12 =	simm.s32 $0x0;
	s21 =	sshll.u32 s10, $0x1;
	s10 =	sadd.s32 s22, s8  }
0xa6: {  	[timem:s12], [sflag:s23] =	dma.local [hbm:s10], s21  }
0xa7: {  	_ =	swait.ge [sflag:s23], s21  }
0xa8: {  	s9 =	ssub.s32 $0x0, s21;
	[sflag:s23] =	ssyncset.done $0x0  }
0xa9: {  	[sflag:s23] =	ssyncadd.s32 s9;
	_ =	sdelay $0x1  }
0xaa: {  	s24 =	simm.s32 $0x1B8B  }
0xab: {  	_ =	swait.ge [sflag:s24], $0x1  }
0xac: {  	[sflag:s24] =	ssyncset.done $0x0  }
0xad: {  	s25 =	simm.s32 $0x1B8E;
	[sflag:s24] =	ssyncadd.s32 $0xFFFFFFFF  }
0xae: {  	s26 =	simm.s32 $execute0_lowered;
	[smem:$0x3FD2] =	sst s25  }
0xaf: {  	s9 =	sshll.u32 s26, $0x1;
	_ =	strace $0x80000046;
	[dreg:$0x1] =	wrdreg $0xFFFFFFFF  }
0xb0: {  	s28 =	simm.s32 $_size_execute0_lowered;
	s8 =	sadd.s32 s8, s9;
	[dreg:$0x0] =	wrdreg $0x0  }
0xb1: {  	s9 =	sshll.u32 s28, $0x1;
	[dreg:$0x2] =	wrdreg s8  }
0xb2: {  	[dreg:$0x3] =	wrdreg s9  }
0xb3: {  	[dreg:$0x4] =	wrdreg $0xC0  }
0xb4: {  	_ =	task [dreg:s12], $0x5FFFF  }
0xb5: {  	[dreg:$0x1] =	wrdreg $0xFFFFFFFF  }
0xb6: {  	[dreg:$0x0] =	wrdreg $0x60  }
0xb7: {  	[dreg:$0x2] =	wrdreg s2  }
0xb8: {  	[dreg:$0x3] =	wrdreg s4  }
0xb9: {  	[dreg:$0x4] =	wrdreg s5  }
0xba: {  	[dreg:$0x5] =	wrdreg s6  }
0xbb: {  	[dreg:$0x6] =	wrdreg s17  }
0xbc: {  	[dreg:$0x7] =	wrdreg s18  }
0xbd: {  	[dreg:$0x8] =	wrdreg $0x90000  }
0xbe: {  	[dreg:$0x9] =	wrdreg $0x9  }
0xbf: {  	_ =	task.clear_ibuf [dreg:s12], $0xAFFFF;
	_ =	strace $0x90000046  }
0xc0: {  	s29 =	simm.s32 $0x9;
	_ =	strace $0x80000048  }
0xc1: {  	_ =	swait.ge [sflag:s29], $0x1  }
0xc2: {  	[sflag:s29] =	ssyncadd.s32 $0xFFFFFFFF  }
0xc3: {  	_ =	strace $0x90000048  }
0xc4: {  	_ =	sfence  }
0xc5: {  	s30 =	sld [smem:$0x0];
	_ =	sdelay $0x2  }
0xc6: {  	s31 =	sshll.u32 s1, $0xD;
	s1 =	sshrl.u32 s1, $0x2  }
0xc7: {  	s3 =	sand.u32 $0x4000, s31;
	s1 =	sadd.s32 s1, s30  }
0xc8: {  	s0 =	sor.u32 s3, s0;
	s1 =	sshll.u32 s1, $0x11  }
0xc9: {  	s0 =	sor.u32 s1, s0  }
0xca: {  	s0 =	sadd.s32 $0x8F2B, s0  }
0xcb: {  	[sflag:s0] =	ssyncadd.remote.s32 $0x1  }
0xcc: {  	_ =	sfence.sel $0xFFFF  }
0xcd: {  	[dreg:$0x0] =	wrdreg $0xFFFFFFFF;
	(pc) =	sbr.abs _section_cstart, $3  }
0xce: {  	[dreg:$0x1] =	wrdreg $0xFFFFFFFF  }
0xcf: {  	_ =	task.clear_ibuf [dreg:s12], $0x2FFFF;
	_ =	strace $0x9FFFFFFF  }
0xd0: {  	(tm) =	ssettm $0x7FFFFFFF  }
0xd1: {  	_ =	shalt  }
tec
execute0_lowered:
.L_overlay_start_1:
0x0: {  	(tag) =	ssettag $0x1  }
0x1: {  	s5 =	rddreg [dreg:$0x0]  }
0x2: {  	s6 =	rddreg [dreg:$0x1]  }
0x3: {  	s7 =	rddreg [dreg:$0x2]  }
0x4: {  	s0 =	rddreg [dreg:$0x3]  }
0x5: {  	s8 =	rddreg [dreg:$0x4]  }
0x6: {  	s10 =	rddreg [dreg:$0x5]  }
0x7: {  	s1 =	srdreg.scid;
	s3 =	rddreg [dreg:$0x6];
	s4 =	simm.s32 $0x0  }
0x8: {  	s15 =	simm.s32 $0x80;
	s16 =	simm.s32 $0x100;
	s17 =	simm.s32 $0x180  }
0x9: {  	s18 =	simm.s32 $0x1;
	s19 =	simm.s32 $0x2;
	s20 =	simm.s32 $0x3  }
0xa: {  	s21 =	simm.s32 $0x4;
	s9 =	sand.u32 $0x1, s1;
	s1 =	stileid.u32  }
0xb: {  	s23 =	simm.s32 $0x2880;
	s26 =	simm.s32 $0x2980;
	s13 =	smul.u32 $0x50000, s1  }
0xc: {  	s28 =	simm.s32 $0x0;
	[smem:$0x7FF] =	sst s4;
	s24 =	smul.u32 $0x2800, s1  }
0xd: {  	s2 =	sshll.u32 s9, $0x4;
	s12 =	ssub.s32 $0x2, s9;
	s9 =	smul.u32 $0x28000, s9  }
0xe: {  	s31 =	sshll.u32 s1, $0x6;
	s11 =	sor.u32 s1, s2;
	s2 =	rddreg [dreg:$0x7]  }
0xf: {  	_ =	strace $0x80000047;
	s14 =	sshrl.u32 s12, $0x1;
	s11 =	smul.u32 $0x500, s11  }
0x10: {  	s12 =	ssub.s32 s12, s14;
	s13 =	sshrl.u32 s13, $0x2;
	s7 =	sadd.s32 s7, s24  }
0x11: {  	s22 =	sadd.s32 s8, s9;
	s25 =	sadd.s32 s10, s9;
	s9 =	simm.s32 $0x5  }
0x12: {  	s10 =	simm.s32 $0x2800;
	s14 =	simm.s32 $0x7D;
	s13 =	sadd.s32 s13, s3  }
0x13: {  	s8 =	smax.u32 s12, $0x1;
	s12 =	sor.u32 $0x1C05, s31;
	s22 =	sadd.s32 s24, s22  }
0x14: {  	s24 =	sadd.s32 s24, s25;
	s25 =	simm.s32 $0x2900;
	s5 =	sadd.s32 s5, s11  }
0x15: {  	s6 =	sadd.s32 s6, s11;
	s11 =	simm.s32 $0x5000;
	s13 =	sshrl.u32 s13, $0x3  }
.LBB2_1:
0x16: {  	[tilespmem:s4], [sflag:$0x5] =	stream.linear.gather [hbm4b:s5+s4], $0x2800, $0x38;
	[tilespmem:$0x1D000] =	vst v63  }
0x17: {  	_ =	swait.ge [sflag:s9], $0x2800  }
0x18: {  	[sflag:s9] =	ssyncset.done $0x0  }
0x19: {  	[sflag:s9] =	ssyncadd.s32 $0xFFFFD800  }
0x1a: {  	[tilespmem:s10], [sflag:$0x5] =	stream.linear.gather [hbm4b:s6+s4], $0x2800, $0x38;
	[tilespmem:$0x1D000] =	vst v63  }
0x1b: {  	_ =	swait.ge [sflag:s9], $0x2800  }
0x1c: {  	[sflag:s9] =	ssyncset.done $0x0  }
0x1d: {  	[sflag:s9] =	ssyncadd.s32 $0xFFFFD800  }
0x1e: {  	[tilespmem:s11], [sflag:$0x5] =	stream.linear.gather [hbm4b:s0+s4], $0x4000, $0x38;
	[tilespmem:$0x1D000] =	vst v63  }
0x1f: {  	_ =	swait.ge [sflag:s9], $0x4000  }
0x20: {  	[sflag:s9] =	ssyncset.done $0x0  }
0x21: {  	[sflag:s9] =	ssyncadd.s32 $0xFFFFC000  }
0x22: {  	[spmem:s13], [sflag:s12] =	dma.local [hbm:s7], $0x2800  }
0x23: {  	_ =	swait.ge [sflag:s9], $0x2800  }
0x24: {  	[sflag:s9] =	ssyncset.done $0x0  }
0x25: {  	[sflag:s9] =	ssyncadd.s32 $0xFFFFD800  }
0x26: {  	[bflag:$0x0] =	sbarrier.arrive $0xFFFF  }
0x27: {  	[spmem:s3] =	stream.indirect.scatter.add.f32 [tilespmem:s11], [sflag:$0x1], $0x80, s4, s14, $0xb8;
	[tilespmem:$0x1D000] =	vst v63  }
0x28: {  	_ = 	snop  }
0x29: {  	[spmem:s3] =	stream.indirect.scatter.add.f32 [tilespmem:s11], [sflag:$0x2], $0x80, s15, s14, $0xb8;
	[tilespmem:$0x1D000] =	vst v63  }
0x2a: {  	_ = 	snop  }
0x2b: {  	[spmem:s3] =	stream.indirect.scatter.add.f32 [tilespmem:s11], [sflag:$0x3], $0x80, s16, s14, $0xb8;
	[tilespmem:$0x1D000] =	vst v63  }
0x2c: {  	_ = 	snop  }
0x2d: {  	[spmem:s3] =	stream.indirect.scatter.add.f32 [tilespmem:s11], [sflag:$0x4], $0x80, s17, s14, $0xb8;
	[tilespmem:$0x1D000] =	vst v63  }
0x2e: {  	_ =	swait.ge [sflag:s18], $0x3E80  }
0x2f: {  	[sflag:s18] =	ssyncset.done $0x0  }
0x30: {  	s29 =	simm.s32 $0x200;
	[sflag:s18] =	ssyncadd.s32 $0xFFFFC180  }
0x31: {  	[spmem:s3] =	stream.indirect.scatter.add.f32 [tilespmem:s11], [sflag:$0x1], $0x80, s29, s14, $0xb8;
	[tilespmem:$0x1D000] =	vst v63  }
0x32: {  	_ =	swait.ge [sflag:s19], $0x3E80  }
0x33: {  	[sflag:s19] =	ssyncset.done $0x0  }
0x34: {  	s29 =	simm.s32 $0x280;
	[sflag:s19] =	ssyncadd.s32 $0xFFFFC180  }
0x35: {  	[spmem:s3] =	stream.indirect.scatter.add.f32 [tilespmem:s11], [sflag:$0x2], $0x80, s29, s14, $0xb8;
	[tilespmem:$0x1D000] =	vst v63  }
0x36: {  	_ =	swait.ge [sflag:s20], $0x3E80  }
0x37: {  	[sflag:s20] =	ssyncset.done $0x0  }
0x38: {  	s29 =	simm.s32 $0x300;
	[sflag:s20] =	ssyncadd.s32 $0xFFFFC180  }
0x39: {  	[spmem:s3] =	stream.indirect.scatter.add.f32 [tilespmem:s11], [sflag:$0x3], $0x80, s29, s14, $0xb8;
	[tilespmem:$0x1D000] =	vst v63  }
0x3a: {  	_ =	swait.ge [sflag:s21], $0x3E80  }
0x3b: {  	[sflag:s21] =	ssyncset.done $0x0  }
0x3c: {  	s30 =	simm.s32 $0x380;
	s29 =	simm.s32 $0xFFFF7000;
	[sflag:s21] =	ssyncadd.s32 $0xFFFFC180  }
.LBB2_2:
0x3d: {  	[spmem:s3] =	stream.indirect.scatter.add.f32 [tilespmem:s11], [sflag:$0x4], $0x80, s30, s14, $0xb8;
	[tilespmem:$0x1D000] =	vst v63  }
0x3e: {  	s30 =	smov.u32 s29  }
0x3f: {  	p0 =	sne.s32 s29, $0xFFFFF800;
	s29 =	sadd.s32 $0x800, s29;
	_ =	swait.ge [sflag:s18], $0x3E80  }
0x40: {  	s30 =	sshra.s32 s30, $0x2;
	[sflag:s18] =	ssyncset.done $0x0  }
0x41: {  	s31 =	sadd.s32 $0x2800, s30;
	[sflag:s18] =	ssyncadd.s32 $0xFFFFC180  }
0x42: {  	[spmem:s3] =	stream.indirect.scatter.add.f32 [tilespmem:s11], [sflag:$0x1], $0x80, s31, s14, $0xb8;
	[tilespmem:$0x1D000] =	vst v63  }
0x43: {  	_ =	swait.ge [sflag:s19], $0x3E80  }
0x44: {  	[sflag:s19] =	ssyncset.done $0x0  }
0x45: {  	s31 =	sadd.s32 $0x2880, s30;
	[sflag:s19] =	ssyncadd.s32 $0xFFFFC180  }
0x46: {  	[spmem:s3] =	stream.indirect.scatter.add.f32 [tilespmem:s11], [sflag:$0x2], $0x80, s31, s14, $0xb8;
	[tilespmem:$0x1D000] =	vst v63  }
0x47: {  	_ =	swait.ge [sflag:s20], $0x3E80  }
0x48: {  	[sflag:s20] =	ssyncset.done $0x0  }
.Ltmp0:
0x49: {  	s31 =	sadd.s32 $0x2900, s30;
	[sflag:s20] =	ssyncadd.s32 $0xFFFFC180;
	(pc) =	sbr.rel @p0 .LBB2_2-.Ltmp0, $4  }
0x4a: {  	[spmem:s3] =	stream.indirect.scatter.add.f32 [tilespmem:s11], [sflag:$0x3], $0x80, s31, s14, $0xb8;
	[tilespmem:$0x1D000] =	vst v63  }
0x4b: {  	_ =	swait.ge [sflag:s21], $0x3E80  }
0x4c: {  	[sflag:s21] =	ssyncset.done $0x0  }
0x4d: {  	s30 =	sadd.s32 $0x2980, s30;
	[sflag:s21] =	ssyncadd.s32 $0xFFFFC180  }
0x4e: {  	[spmem:s3] =	stream.indirect.scatter.add.f32 [tilespmem:s11], [sflag:$0x4], $0x80, s30, s14, $0xb8;
	[tilespmem:$0x1D000] =	vst v63  }
0x4f: {  	_ =	swait.ge [sflag:s18], $0x3E80  }
0x50: {  	[sflag:s18] =	ssyncset.done $0x0  }
0x51: {  	[sflag:s18] =	ssyncadd.s32 $0xFFFFC180  }
0x52: {  	_ =	swait.ge [sflag:s19], $0x3E80  }
0x53: {  	[sflag:s19] =	ssyncset.done $0x0  }
0x54: {  	[sflag:s19] =	ssyncadd.s32 $0xFFFFC180  }
0x55: {  	_ =	swait.ge [sflag:s20], $0x3E80  }
0x56: {  	[sflag:s20] =	ssyncset.done $0x0  }
0x57: {  	[sflag:s20] =	ssyncadd.s32 $0xFFFFC180  }
0x58: {  	_ =	swait.ge [sflag:s21], $0x3E80  }
0x59: {  	[sflag:s21] =	ssyncset.done $0x0  }
0x5a: {  	[sflag:s21] =	ssyncadd.s32 $0xFFFFC180  }
0x5b: {  	[bflag:$0x0] =	sbarrier.arrive $0xFFFF  }
0x5c: {  	[hbm:s22], [sflag:s12] =	dma.local [spmem:s13], $0x2800  }
0x5d: {  	_ =	swait.ge [sflag:s9], $0x2800  }
0x5e: {  	[sflag:s9] =	ssyncset.done $0x0  }
0x5f: {  	[sflag:s9] =	ssyncadd.s32 $0xFFFFD800  }
0x60: {  	[bflag:$0x0] =	sbarrier.arrive $0xFFFF  }
0x61: {  	[spmem:s13], [sflag:s12] =	dma.local [hbm:s7], $0x2800  }
0x62: {  	_ =	swait.ge [sflag:s9], $0x2800  }
0x63: {  	[sflag:s9] =	ssyncset.done $0x0  }
0x64: {  	[sflag:s9] =	ssyncadd.s32 $0xFFFFD800  }
0x65: {  	[bflag:$0x0] =	sbarrier.arrive $0xFFFF  }
0x66: {  	[spmem:s3] =	stream.indirect.scatter.add.f32 [tilespmem:s11], [sflag:$0x1], $0x80, s10, s14, $0xb8;
	[tilespmem:$0x1D000] =	vst v63  }
0x67: {  	_ = 	snop  }
0x68: {  	[spmem:s3] =	stream.indirect.scatter.add.f32 [tilespmem:s11], [sflag:$0x2], $0x80, s23, s14, $0xb8;
	[tilespmem:$0x1D000] =	vst v63  }
0x69: {  	_ = 	snop  }
0x6a: {  	[spmem:s3] =	stream.indirect.scatter.add.f32 [tilespmem:s11], [sflag:$0x3], $0x80, s25, s14, $0xb8;
	[tilespmem:$0x1D000] =	vst v63  }
0x6b: {  	_ = 	snop  }
0x6c: {  	[spmem:s3] =	stream.indirect.scatter.add.f32 [tilespmem:s11], [sflag:$0x4], $0x80, s26, s14, $0xb8;
	[tilespmem:$0x1D000] =	vst v63  }
0x6d: {  	_ =	swait.ge [sflag:s18], $0x3E80  }
0x6e: {  	[sflag:s18] =	ssyncset.done $0x0  }
0x6f: {  	s29 =	simm.s32 $0x2A00;
	[sflag:s18] =	ssyncadd.s32 $0xFFFFC180  }
0x70: {  	[spmem:s3] =	stream.indirect.scatter.add.f32 [tilespmem:s11], [sflag:$0x1], $0x80, s29, s14, $0xb8;
	[tilespmem:$0x1D000] =	vst v63  }
0x71: {  	_ =	swait.ge [sflag:s19], $0x3E80  }
0x72: {  	[sflag:s19] =	ssyncset.done $0x0  }
0x73: {  	s29 =	simm.s32 $0x2A80;
	[sflag:s19] =	ssyncadd.s32 $0xFFFFC180  }
0x74: {  	[spmem:s3] =	stream.indirect.scatter.add.f32 [tilespmem:s11], [sflag:$0x2], $0x80, s29, s14, $0xb8;
	[tilespmem:$0x1D000] =	vst v63  }
0x75: {  	_ =	swait.ge [sflag:s20], $0x3E80  }
0x76: {  	[sflag:s20] =	ssyncset.done $0x0  }
0x77: {  	s29 =	simm.s32 $0x2B00;
	[sflag:s20] =	ssyncadd.s32 $0xFFFFC180  }
0x78: {  	[spmem:s3] =	stream.indirect.scatter.add.f32 [tilespmem:s11], [sflag:$0x3], $0x80, s29, s14, $0xb8;
	[tilespmem:$0x1D000] =	vst v63  }
0x79: {  	_ =	swait.ge [sflag:s21], $0x3E80  }
0x7a: {  	[sflag:s21] =	ssyncset.done $0x0  }
0x7b: {  	s30 =	simm.s32 $0x2B80;
	s29 =	simm.s32 $0xFFFF7000;
	[sflag:s21] =	ssyncadd.s32 $0xFFFFC180  }
.LBB2_4:
0x7c: {  	[spmem:s3] =	stream.indirect.scatter.add.f32 [tilespmem:s11], [sflag:$0x4], $0x80, s30, s14, $0xb8;
	[tilespmem:$0x1D000] =	vst v63  }
0x7d: {  	s30 =	smov.u32 s29  }
0x7e: {  	p0 =	sne.s32 s29, $0xFFFFF800;
	s29 =	sadd.s32 $0x800, s29;
	_ =	swait.ge [sflag:s18], $0x3E80  }
0x7f: {  	s30 =	sshra.s32 s30, $0x2;
	[sflag:s18] =	ssyncset.done $0x0  }
0x80: {  	s31 =	sadd.s32 $0x5000, s30;
	[sflag:s18] =	ssyncadd.s32 $0xFFFFC180  }
0x81: {  	[spmem:s3] =	stream.indirect.scatter.add.f32 [tilespmem:s11], [sflag:$0x1], $0x80, s31, s14, $0xb8;
	[tilespmem:$0x1D000] =	vst v63  }
0x82: {  	_ =	swait.ge [sflag:s19], $0x3E80  }
0x83: {  	[sflag:s19] =	ssyncset.done $0x0  }
0x84: {  	s31 =	sadd.s32 $0x5080, s30;
	[sflag:s19] =	ssyncadd.s32 $0xFFFFC180  }
0x85: {  	[spmem:s3] =	stream.indirect.scatter.add.f32 [tilespmem:s11], [sflag:$0x2], $0x80, s31, s14, $0xb8;
	[tilespmem:$0x1D000] =	vst v63  }
0x86: {  	_ =	swait.ge [sflag:s20], $0x3E80  }
0x87: {  	[sflag:s20] =	ssyncset.done $0x0  }
.Ltmp1:
0x88: {  	s31 =	sadd.s32 $0x5100, s30;
	[sflag:s20] =	ssyncadd.s32 $0xFFFFC180;
	(pc) =	sbr.rel @p0 .LBB2_4-.Ltmp1, $4  }
0x89: {  	[spmem:s3] =	stream.indirect.scatter.add.f32 [tilespmem:s11], [sflag:$0x3], $0x80, s31, s14, $0xb8;
	[tilespmem:$0x1D000] =	vst v63  }
0x8a: {  	_ =	swait.ge [sflag:s21], $0x3E80  }
0x8b: {  	[sflag:s21] =	ssyncset.done $0x0  }
0x8c: {  	s30 =	sadd.s32 $0x5180, s30;
	[sflag:s21] =	ssyncadd.s32 $0xFFFFC180  }
0x8d: {  	[spmem:s3] =	stream.indirect.scatter.add.f32 [tilespmem:s11], [sflag:$0x4], $0x80, s30, s14, $0xb8;
	[tilespmem:$0x1D000] =	vst v63  }
0x8e: {  	_ =	swait.ge [sflag:s18], $0x3E80  }
0x8f: {  	[sflag:s18] =	ssyncset.done $0x0  }
0x90: {  	[sflag:s18] =	ssyncadd.s32 $0xFFFFC180  }
0x91: {  	_ =	swait.ge [sflag:s19], $0x3E80  }
0x92: {  	[sflag:s19] =	ssyncset.done $0x0  }
0x93: {  	[sflag:s19] =	ssyncadd.s32 $0xFFFFC180  }
0x94: {  	_ =	swait.ge [sflag:s20], $0x3E80  }
0x95: {  	[sflag:s20] =	ssyncset.done $0x0  }
0x96: {  	[sflag:s20] =	ssyncadd.s32 $0xFFFFC180  }
0x97: {  	_ =	swait.ge [sflag:s21], $0x3E80  }
0x98: {  	[sflag:s21] =	ssyncset.done $0x0  }
0x99: {  	s28 =	sadd.s32 $0x1, s28;
	[sflag:s21] =	ssyncadd.s32 $0xFFFFC180  }
0x9a: {  	p0 =	sne.s32 s28, s8;
	[bflag:$0x0] =	sbarrier.arrive $0xFFFF  }
0x9b: {  	[hbm:s24], [sflag:s12] =	dma.local [spmem:s13], $0x2800  }
.Ltmp2:
0x9c: {  	_ =	swait.ge [sflag:s9], $0x2800;
	(pc) =	sbr.rel @p0 .LBB2_1-.Ltmp2, $3  }
0x9d: {  	[sflag:s9] =	ssyncset.done $0x0  }
0x9e: {  	[sflag:s9] =	ssyncadd.s32 $0xFFFFD800  }
0x9f: {  	[bflag:$0x0] =	sbarrier.arrive $0xFFFF;
	_ =	sdelay $0x1  }
0xa0: {  	_ =	sfence.sel $0x180000  }
0xa1: {  	[bflag:$0x0] =	sbarrier.arrive $0xFFFF  }
0xa2: {  	p0 =	sne.s32 s1, $0x0;
	_ =	strace $0x90000047  }
0xa3: {  	s0 =	sadd.s32 @!p0 $0x100000, s2;
	[bflag:$0x2] =	sbarrier.arrive $0xFFFF  }
0xa4: {  	[sflag:s0] =	ssyncadd.tile.s32 @!p0 $0x1;
	_ =	shalt  }
.Lfunc_end2:
_tile_overlayer_lowered:
.L_overlay_start_2:
0xa5: {  	(tag) =	ssettag $0x2  }
0xa6: {  	s0 =	rddreg [dreg:$0x0];
	s2 =	stileid.u32  }
0xa7: {  	s1 =	rddreg [dreg:$0x1];
	p0 =	sne.s32 s2, $0x0  }
0xa8: {  	s3 =	rddreg [dreg:$0x2];
	[bflag:$0x3] =	sbarrier.arrive $0xFFFF;
	s2 =	simm.s32 @!p0 $0x1C05  }
0xa9: {  	[timem:s3], [sflag:s2] =	dma.local @!p0 [hbm:s0], s1  }
0xaa: {  	s0 =	simm.s32 @!p0 $0x5  }
0xab: {  	_ =	swait.ge @!p0 [sflag:s0], s1  }
0xac: {  	s1 =	ssub.s32 @!p0 $0x0, s1;
	[sflag:s0] =	ssyncset.done @!p0 $0x0  }
0xad: {  	[sflag:s0] =	ssyncadd.s32 @!p0 s1  }
0xae: {  	[bflag:$0x3] =	sbarrier.arrive $0xFFFF  }
0xaf: {  	_ =	shalt  }

</sc_bundles>
